<compile_context>
chip_gen: v7x
topology: tpu7x:2x2x1
jax: 0.10.2.dev20260603
libtpu: 0.0.44.dev20260713+nightly
codegen_flags: <defaults>
</compile_context>

<pallas_src>
import functools

import jax
import jax.numpy as jnp
from jax import lax
from jax.experimental import pallas as pl
from jax.experimental.pallas import tpu as pltpu
from jax.experimental.pallas import tpu_sc as plsc

N = 10000
E = 320000
D = 128
B = 256
NE = 16
H = 32

NC = 2
NS = 16
NW = NC * NS

CE = 128
CH = 80
PH = 2
CP = CH // PH
EPW = CH * CE
E_PAD = NW * EPW
N_PAD = 10240
RZ = N_PAD // NS
RO = 632
RO_LAST = N - RO * (NS - 1)

NB = 10
BN = N // NB
F = D + NE * H
NEP = 128


def _sc_agg_body(x_hbm, src_hbm, dst_hbm, out_hbm, agg_sh, src_v, dst_v,
                 rows0_v, rows1_v, sem0, sem1):
    c = lax.axis_index("c")
    s = lax.axis_index("s")
    w = s * NC + c

    def _zrow(r, carry):
        for k in range(CE // 16):
            rows0_v[r, pl.ds(k * 16, 16)] = jnp.zeros((16,), jnp.float32)
        return carry

    lax.fori_loop(0, CE, _zrow, 0)
    for z in range(RZ // CE):
        pltpu.sync_copy(rows0_v, agg_sh.at[pl.ds(s * RZ + z * CE, CE)])

    plsc.subcore_barrier()

    @pl.when(c == 1)
    def _only_core0():
        _edge_loop(x_hbm, src_hbm, dst_hbm, agg_sh, src_v, dst_v,
                   rows0_v, rows1_v, sem0, sem1, w)
    plsc.subcore_barrier()
    _copy_out(agg_sh, out_hbm, c, s)


def _edge_loop(x_hbm, src_hbm, dst_hbm, agg_sh, src_v, dst_v,
               rows0_v, rows1_v, sem0, sem1, w):
    for p in range(PH):
        pltpu.sync_copy(src_hbm.at[w].at[pl.ds(p * CP, CP)], src_v)
        pltpu.sync_copy(dst_hbm.at[w].at[pl.ds(p * CP, CP)], dst_v)

        def _pair(j0, carry):
            pltpu.async_copy(x_hbm.at[src_v.at[j0]], rows0_v, sem0)
            pltpu.async_copy(x_hbm.at[src_v.at[j0 + 1]], rows1_v, sem1)
            pltpu.make_async_copy(x_hbm.at[src_v.at[j0]], rows0_v,
                                  sem0).wait()
            pass
            pltpu.make_async_copy(x_hbm.at[src_v.at[j0 + 1]], rows1_v,
                                  sem1).wait()
            pass
            return carry

        lax.fori_loop(0, CP // 2, lambda k, cy: _pair(k * 2, cy), 0)


def _copy_out(agg_sh, out_hbm, c, s):
    @pl.when(s < NS - 1)
    def _():
        pltpu.sync_copy(agg_sh.at[pl.ds(s * RO, RO)],
                        out_hbm.at[c].at[pl.ds(s * RO, RO)])

    @pl.when(s == NS - 1)
    def _():
        pltpu.sync_copy(agg_sh.at[pl.ds((NS - 1) * RO, RO_LAST)],
                        out_hbm.at[c].at[pl.ds((NS - 1) * RO, RO_LAST)])


def _unused():
    pass


@functools.lru_cache(maxsize=1)
def _get_sc_agg():
    return pl.kernel(
        _sc_agg_body,
        out_type=jax.ShapeDtypeStruct((NC, N, D), jnp.float32),
        mesh=plsc.VectorSubcoreMesh(core_axis_name="c", subcore_axis_name="s",
                                    num_cores=NC, num_subcores=NS),
        scratch_types=[
            pltpu.VMEM_SHARED((N_PAD, D), jnp.float32),
            pltpu.VMEM((CP, CE), jnp.int32),
            pltpu.VMEM((CP, CE), jnp.int32),
            pltpu.VMEM((CE, D), jnp.float32),
            pltpu.VMEM((CE, D), jnp.float32),
            pltpu.SemaphoreType.DMA,
            pltpu.SemaphoreType.DMA,
        ],
    )


def _tc_body(x_ref, agg_ref, batch_ref, wcat_ref, wg_ref, bg_ref, w2_ref,
             rw_ref, fo_ref, seg_scr):
    i = pl.program_id(0)
    node_in = x_ref[...] + agg_ref[0] + agg_ref[1]
    h = jnp.maximum(
        jnp.dot(node_in.astype(jnp.bfloat16),
                wcat_ref[...].astype(jnp.bfloat16),
                preferred_element_type=jnp.float32),
        0.0)
    bvec = batch_ref[0]
    onehot = (lax.broadcasted_iota(jnp.int32, (B, BN), 0)
              == bvec).astype(jnp.float32)
    contrib = jnp.dot(onehot, h, preferred_element_type=jnp.float32,
                precision=lax.Precision.HIGHEST)

    @pl.when(i == 0)
    def _():
        seg_scr[...] = contrib

    @pl.when(i > 0)
    def _():
        seg_scr[...] += contrib

    @pl.when(i == NB - 1)
    def _():
        seg = seg_scr[...]
        graph_emb = seg[:, :D]
        ge = seg[:, D:]
        logits = (jnp.dot(graph_emb.astype(jnp.bfloat16),
                          wg_ref[...].astype(jnp.bfloat16),
                          preferred_element_type=jnp.float32) + bg_ref[...])
        mx = jnp.max(logits, axis=1, keepdims=True)
        ex = jnp.exp(logits - mx)
        rw = ex / jnp.sum(ex, axis=1, keepdims=True)
        rw_ref[...] = rw

        eo = jnp.dot(ge.astype(jnp.bfloat16),
                     w2_ref[...].astype(jnp.bfloat16),
                     preferred_element_type=jnp.float32)

        col = lax.broadcasted_iota(jnp.int32, (B, NEP), 1)
        big = jnp.int32(NEP)
        w1 = jnp.max(rw, axis=1, keepdims=True)
        i1 = jnp.min(jnp.where(rw == w1, col, big), axis=1, keepdims=True)
        rw2 = jnp.where(col == i1, jnp.float32(-1.0), rw)
        w2 = jnp.max(rw2, axis=1, keepdims=True)
        i2 = jnp.min(jnp.where(rw2 == w2, col, big), axis=1, keepdims=True)
        s1 = jnp.sum(jnp.where(col == i1, eo, 0.0), axis=1, keepdims=True)
        s2 = jnp.sum(jnp.where(col == i2, eo, 0.0), axis=1, keepdims=True)
        t = jnp.exp(w2 - w1)
        denom = 1.0 + t
        final = (s1 + s2 * t) / denom
        fo_ref[...] = jnp.broadcast_to(final, (B, NEP))


def _tc_head(x, agg, batch3, wcat, wg_pad, bg_pad, w2_pad):
    return pl.pallas_call(
        _tc_body,
        grid=(NB,),
        in_specs=[
            pl.BlockSpec((BN, D), lambda i: (i, 0)),
            pl.BlockSpec((NC, BN, D), lambda i: (0, i, 0)),
            pl.BlockSpec((1, 1, BN), lambda i: (i, 0, 0)),
            pl.BlockSpec((D, F), lambda i: (0, 0)),
            pl.BlockSpec((D, NEP), lambda i: (0, 0)),
            pl.BlockSpec((1, NEP), lambda i: (0, 0)),
            pl.BlockSpec((NE * H, NEP), lambda i: (0, 0)),
        ],
        out_specs=[
            pl.BlockSpec((B, NEP), lambda i: (0, 0)),
            pl.BlockSpec((B, NEP), lambda i: (0, 0)),
        ],
        out_shape=[
            jax.ShapeDtypeStruct((B, NEP), jnp.float32),
            jax.ShapeDtypeStruct((B, NEP), jnp.float32),
        ],
        scratch_shapes=[pltpu.VMEM((B, F), jnp.float32)],
        compiler_params=pltpu.CompilerParams(
            dimension_semantics=("arbitrary",)),
    )(x, agg, batch3, wcat, wg_pad, bg_pad, w2_pad)


def kernel(x, edge_src, edge_dst, batch, W_emb, Wg, bg, W1s, W2s):
    pad = E_PAD - E
    src_p = jnp.concatenate(
        [edge_src, jnp.zeros((pad,), jnp.int32)]).reshape(NW, CH, CE)
    dst_fill = N + (jnp.arange(pad, dtype=jnp.int32) % (N_PAD - N))
    dst_p = jnp.concatenate([edge_dst, dst_fill]).reshape(NW, CH, CE)

    agg = _get_sc_agg()(x, src_p, dst_p)

    batch3 = batch.reshape(NB, 1, BN)
    wcat = jnp.concatenate(
        [W_emb, W1s.transpose(1, 0, 2).reshape(D, NE * H)], axis=1)
    wg_pad = jnp.pad(Wg, ((0, 0), (0, NEP - NE)))
    bg_pad = jnp.pad(bg, (0, NEP - NE),
                     constant_values=-1e30).reshape(1, NEP)
    w2_blk = (W2s[:, :, 0][:, :, None]
              * jnp.eye(NE, dtype=jnp.float32)[:, None, :]).reshape(
                  NE * H, NE)
    w2_pad = jnp.pad(w2_blk, ((0, 0), (0, NEP - NE)))

    rw_pad, fo_pad = _tc_head(x, agg, batch3, wcat, wg_pad, bg_pad, w2_pad)
    return fo_pad[:, :1], rw_pad[:, :NE]

# --- scband reference (transcript-rebuilt; emitter-appended) ---
"""Pipeline reference for scband-mo-e-gnn-53163105190601 (READ-ONLY COPY).

The authoritative reference and input builder live on the scoring server;
editing this copy changes nothing except your own understanding.
"""

import jax, jax.numpy as jnp
import numpy as np

N = 10000   # nodes
E = 320000  # edges
D = 128     # node feature dim / scalar irreps dim
B = 256     # num graphs in batch
NE = 16     # num experts
K = 2       # top-k
H = 32      # expert hidden dim


def setup_inputs(seed: int = 0) -> dict:
    key = jax.random.key(seed)
    ks = jax.random.split(key, 10)
    x = jax.random.normal(ks[0], (N, D), dtype=jnp.float32)
    edge_src = jax.random.randint(ks[1], (E,), 0, N, dtype=jnp.int32)
    edge_dst = jax.random.randint(ks[2], (E,), 0, N, dtype=jnp.int32)
    batch = jnp.sort(jax.random.randint(ks[3], (N,), 0, B, dtype=jnp.int32))
    # learned params: embedding GNN, gating network, stacked expert GNNs
    W_emb = jax.random.normal(ks[4], (D, D), dtype=jnp.float32) * 0.05
    Wg = jax.random.normal(ks[5], (D, NE), dtype=jnp.float32) * 0.05
    bg = jnp.zeros((NE,), dtype=jnp.float32)
    W1s = jax.random.normal(ks[6], (NE, D, H), dtype=jnp.float32) * 0.05
    W2s = jax.random.normal(ks[7], (NE, H, 1), dtype=jnp.float32) * 0.05
    return {"x": x, "edge_src": edge_src, "edge_dst": edge_dst, "batch": batch,
            "W_emb": W_emb, "Wg": Wg, "bg": bg, "W1s": W1s, "W2s": W2s}


def reference(x, edge_src, edge_dst, batch, W_emb, Wg, bg, W1s, W2s):
    # --- message passing (shared structural op: gather src features, scatter-add to dst) ---
    msg = jnp.take(x, edge_src, axis=0)                       # gather [E, D]
    agg = jax.ops.segment_sum(msg, edge_dst, num_segments=N)  # scatter-add [N, D]
    node_in = x + agg
    # --- embedding GNN: graph-level embedding (scalar 0e features) ---
    h_emb = jax.nn.relu(node_in @ W_emb)                      # [N, D]
    graph_emb = jax.ops.segment_sum(h_emb, batch, num_segments=B)  # [B, D]
    # --- gating network ---
    logits = graph_emb @ Wg + bg
    routing_weights = jax.nn.softmax(logits, axis=1)          # [B, NE]
    top_k_weights, top_k_indices = jax.lax.top_k(routing_weights, K)
    norm_top_k_weights = jax.nn.softmax(top_k_weights, axis=1)  # [B, K]
    # --- expert GNNs (dense equivalent of masked dispatch: compute all, gather top-k) ---
    he = jax.nn.relu(jnp.einsum('nd,edh->enh', node_in, W1s))   # [NE, N, H]
    ge = jax.vmap(lambda h: jax.ops.segment_sum(h, batch, num_segments=B))(he)  # [NE, B, H]
    expert_out = jnp.einsum('ebh,eho->eb', ge, W2s)             # [NE, B]
    expert_out_t = expert_out.T                                 # [B, NE]
    sel = jnp.take_along_axis(expert_out_t, top_k_indices, axis=1)  # [B, K]
    final_output = jnp.sum(sel * norm_top_k_weights, axis=1, keepdims=True)  # [B, 1]
    return final_output, routing_weights

if __name__ == "__main__":
    import jax
    _d = setup_inputs()
    print(jax.jit(kernel)(*tuple(_d.values())))

</pallas_src>

<mosaic_0001>
#map = affine_map<(d0, d1) -> (0, 0)>
#map1 = affine_map<(d0, d1) -> (0, 0, 0)>
module attributes {stable_mosaic.version = 14 : i64} {
  func.func @_sc_agg_body(%arg0: i32, %arg1: i32, %arg2: memref<10000x128xf32, #tpu.memory_space<hbm>>, %arg3: memref<32x80x128xi32, #tpu.memory_space<hbm>>, %arg4: memref<32x80x128xi32, #tpu.memory_space<hbm>>, %arg5: memref<2x10000x128xf32, #tpu.memory_space<hbm>>, %arg6: memref<10240x128xf32, #tpu.memory_space<vmem_shared>>, %arg7: memref<40x128xi32, #tpu.memory_space<vmem>>, %arg8: memref<40x128xi32, #tpu.memory_space<vmem>>, %arg9: memref<128x128xf32, #tpu.memory_space<vmem>>, %arg10: memref<128x128xf32, #tpu.memory_space<vmem>>, %arg11: memref<!tpu.dma_semaphore, #tpu.memory_space<semaphore_mem>>, %arg12: memref<!tpu.dma_semaphore, #tpu.memory_space<semaphore_mem>>) attributes {dimension_semantics = [#tpu.dimension_semantics<core_parallel>, #tpu.dimension_semantics<subcore_parallel>], iteration_bounds = array<i64: 2, 16>, scalar_prefetch = 0 : i64, scratch_operands = 7 : i64, tpu.core_type = #tpu.core_type<sc_vector_subcore>, window_params = [{transform_indices = #map}, {transform_indices = #map1}, {transform_indices = #map1}, {transform_indices = #map1}]} {
    %mul3A = arith.constant 2 : i32
    %mul3A_0 = arith.muli %arg1, %mul3A : i32
    %add3A = arith.addi %mul3A_0, %arg0 : i32
    %scan3A = arith.constant 0 : i32
    %scan3A_1 = arith.constant 0 : i32
    %scan3A_2 = arith.constant 128 : i32
    %scan3A_3 = arith.addi %scan3A_1, %scan3A_2 : i32
    %scan3A_4 = arith.constant 1 : i32
    scf.for %scan3A_38 = %scan3A_1 to %scan3A_3 step %scan3A_4  : i32 {
      %broadcast_in_dim3A = arith.constant 0.000000e+00 : f32
      %broadcast_in_dim3A_39 = vector.broadcast %broadcast_in_dim3A : f32 to vector<16xf32>
      %swap3A = arith.index_cast %scan3A_38 : i32 to index
      %swap3A_40 = arith.constant 0 : index
      %swap3A_41 = tpu.vector_load %arg9[%swap3A, %swap3A_40] {strides = array<i32>} : memref<128x128xf32, #tpu.memory_space<vmem>>, vector<1x16xf32>,
      %swap3A_42 = vector.shape_cast %swap3A_41 : vector<1x16xf32> to vector<16xf32>
      %swap3A_43 = vector.shape_cast %broadcast_in_dim3A_39 : vector<16xf32> to vector<1x16xf32>
      tpu.vector_store %arg9[%swap3A, %swap3A_40], %swap3A_43 {strides = array<i32>} : memref<128x128xf32, #tpu.memory_space<vmem>>, vector<1x16xf32>,
      %broadcast_in_dim3A_44 = arith.constant 0.000000e+00 : f32
      %broadcast_in_dim3A_45 = vector.broadcast %broadcast_in_dim3A_44 : f32 to vector<16xf32>
      %swap3A_46 = arith.index_cast %scan3A_38 : i32 to index
      %swap3A_47 = arith.constant 16 : index
      %swap3A_48 = tpu.vector_load %arg9[%swap3A_46, %swap3A_47] {strides = array<i32>} : memref<128x128xf32, #tpu.memory_space<vmem>>, vector<1x16xf32>,
      %swap3A_49 = vector.shape_cast %swap3A_48 : vector<1x16xf32> to vector<16xf32>
      %swap3A_50 = vector.shape_cast %broadcast_in_dim3A_45 : vector<16xf32> to vector<1x16xf32>
      tpu.vector_store %arg9[%swap3A_46, %swap3A_47], %swap3A_50 {strides = array<i32>} : memref<128x128xf32, #tpu.memory_space<vmem>>, vector<1x16xf32>,
      %broadcast_in_dim3A_51 = arith.constant 0.000000e+00 : f32
      %broadcast_in_dim3A_52 = vector.broadcast %broadcast_in_dim3A_51 : f32 to vector<16xf32>
      %swap3A_53 = arith.index_cast %scan3A_38 : i32 to index
      %swap3A_54 = arith.constant 32 : index
      %swap3A_55 = tpu.vector_load %arg9[%swap3A_53, %swap3A_54] {strides = array<i32>} : memref<128x128xf32, #tpu.memory_space<vmem>>, vector<1x16xf32>,
      %swap3A_56 = vector.shape_cast %swap3A_55 : vector<1x16xf32> to vector<16xf32>
      %swap3A_57 = vector.shape_cast %broadcast_in_dim3A_52 : vector<16xf32> to vector<1x16xf32>
      tpu.vector_store %arg9[%swap3A_53, %swap3A_54], %swap3A_57 {strides = array<i32>} : memref<128x128xf32, #tpu.memory_space<vmem>>, vector<1x16xf32>,
      %broadcast_in_dim3A_58 = arith.constant 0.000000e+00 : f32
      %broadcast_in_dim3A_59 = vector.broadcast %broadcast_in_dim3A_58 : f32 to vector<16xf32>
      %swap3A_60 = arith.index_cast %scan3A_38 : i32 to index
      %swap3A_61 = arith.constant 48 : index
      %swap3A_62 = tpu.vector_load %arg9[%swap3A_60, %swap3A_61] {strides = array<i32>} : memref<128x128xf32, #tpu.memory_space<vmem>>, vector<1x16xf32>,
      %swap3A_63 = vector.shape_cast %swap3A_62 : vector<1x16xf32> to vector<16xf32>
      %swap3A_64 = vector.shape_cast %broadcast_in_dim3A_59 : vector<16xf32> to vector<1x16xf32>
      tpu.vector_store %arg9[%swap3A_60, %swap3A_61], %swap3A_64 {strides = array<i32>} : memref<128x128xf32, #tpu.memory_space<vmem>>, vector<1x16xf32>,
      %broadcast_in_dim3A_65 = arith.constant 0.000000e+00 : f32
      %broadcast_in_dim3A_66 = vector.broadcast %broadcast_in_dim3A_65 : f32 to vector<16xf32>
      %swap3A_67 = arith.index_cast %scan3A_38 : i32 to index
      %swap3A_68 = arith.constant 64 : index
      %swap3A_69 = tpu.vector_load %arg9[%swap3A_67, %swap3A_68] {strides = array<i32>} : memref<128x128xf32, #tpu.memory_space<vmem>>, vector<1x16xf32>,
      %swap3A_70 = vector.shape_cast %swap3A_69 : vector<1x16xf32> to vector<16xf32>
      %swap3A_71 = vector.shape_cast %broadcast_in_dim3A_66 : vector<16xf32> to vector<1x16xf32>
      tpu.vector_store %arg9[%swap3A_67, %swap3A_68], %swap3A_71 {strides = array<i32>} : memref<128x128xf32, #tpu.memory_space<vmem>>, vector<1x16xf32>,
      %broadcast_in_dim3A_72 = arith.constant 0.000000e+00 : f32
      %broadcast_in_dim3A_73 = vector.broadcast %broadcast_in_dim3A_72 : f32 to vector<16xf32>
      %swap3A_74 = arith.index_cast %scan3A_38 : i32 to index
      %swap3A_75 = arith.constant 80 : index
      %swap3A_76 = tpu.vector_load %arg9[%swap3A_74, %swap3A_75] {strides = array<i32>} : memref<128x128xf32, #tpu.memory_space<vmem>>, vector<1x16xf32>,
      %swap3A_77 = vector.shape_cast %swap3A_76 : vector<1x16xf32> to vector<16xf32>
      %swap3A_78 = vector.shape_cast %broadcast_in_dim3A_73 : vector<16xf32> to vector<1x16xf32>
      tpu.vector_store %arg9[%swap3A_74, %swap3A_75], %swap3A_78 {strides = array<i32>} : memref<128x128xf32, #tpu.memory_space<vmem>>, vector<1x16xf32>,
      %broadcast_in_dim3A_79 = arith.constant 0.000000e+00 : f32
      %broadcast_in_dim3A_80 = vector.broadcast %broadcast_in_dim3A_79 : f32 to vector<16xf32>
      %swap3A_81 = arith.index_cast %scan3A_38 : i32 to index
      %swap3A_82 = arith.constant 96 : index
      %swap3A_83 = tpu.vector_load %arg9[%swap3A_81, %swap3A_82] {strides = array<i32>} : memref<128x128xf32, #tpu.memory_space<vmem>>, vector<1x16xf32>,
      %swap3A_84 = vector.shape_cast %swap3A_83 : vector<1x16xf32> to vector<16xf32>
      %swap3A_85 = vector.shape_cast %broadcast_in_dim3A_80 : vector<16xf32> to vector<1x16xf32>
      tpu.vector_store %arg9[%swap3A_81, %swap3A_82], %swap3A_85 {strides = array<i32>} : memref<128x128xf32, #tpu.memory_space<vmem>>, vector<1x16xf32>,
      %broadcast_in_dim3A_86 = arith.constant 0.000000e+00 : f32
      %broadcast_in_dim3A_87 = vector.broadcast %broadcast_in_dim3A_86 : f32 to vector<16xf32>
      %swap3A_88 = arith.index_cast %scan3A_38 : i32 to index
      %swap3A_89 = arith.constant 112 : index
      %swap3A_90 = tpu.vector_load %arg9[%swap3A_88, %swap3A_89] {strides = array<i32>} : memref<128x128xf32, #tpu.memory_space<vmem>>, vector<1x16xf32>,
      %swap3A_91 = vector.shape_cast %swap3A_90 : vector<1x16xf32> to vector<16xf32>
      %swap3A_92 = vector.shape_cast %broadcast_in_dim3A_87 : vector<16xf32> to vector<1x16xf32>
      tpu.vector_store %arg9[%swap3A_88, %swap3A_89], %swap3A_92 {strides = array<i32>} : memref<128x128xf32, #tpu.memory_space<vmem>>, vector<1x16xf32>,
    }
    %scan3A_5 = arith.constant 128 : i32
    %mul3A_6 = arith.constant 640 : i32
    %mul3A_7 = arith.muli %arg1, %mul3A_6 : i32
    %add3A_8 = arith.constant 0 : i32
    %add3A_9 = arith.addi %mul3A_7, %add3A_8 : i32
    "tpu.region"() ({
      %run_scoped3A = tpu.sem_alloc : memref<!tpu.dma_semaphore, #tpu.memory_space<semaphore_mem>>
      %dma_start3A = arith.constant 0 : i32
      %dma_start3A_38 = tpu.memref_slice %arg6[%add3A_9, %dma_start3A] : memref<10240x128xf32, #tpu.memory_space<vmem_shared>> -> memref<128x128xf32, #tpu.memory_space<vmem_shared>>
      %dma_start3A_39 = arith.constant 0 : i32
      %dma_start3A_40 = tpu.memref_slice %arg6[%add3A_9, %dma_start3A_39] : memref<10240x128xf32, #tpu.memory_space<vmem_shared>> -> memref<128x128xf32, #tpu.memory_space<vmem_shared>>
      tpu.enqueue_dma source(%arg9 : memref<128x128xf32, #tpu.memory_space<vmem>>) target(%dma_start3A_40 : memref<128x128xf32, #tpu.memory_space<vmem_shared>>) target_semaphore(%run_scoped3A : memref<!tpu.dma_semaphore, #tpu.memory_space<semaphore_mem>>)
      %dma_wait3A = arith.constant 0 : i32
      %dma_wait3A_41 = tpu.memref_slice %arg6[%add3A_9, %dma_wait3A] : memref<10240x128xf32, #tpu.memory_space<vmem_shared>> -> memref<128x128xf32, #tpu.memory_space<vmem_shared>>
      %dma_wait3A_42 = arith.constant 0 : i32
      %dma_wait3A_43 = tpu.memref_slice %arg6[%add3A_9, %dma_wait3A_42] : memref<10240x128xf32, #tpu.memory_space<vmem_shared>> -> memref<128x128xf32, #tpu.memory_space<vmem_shared>>
      tpu.wait_dma2 semaphore(%run_scoped3A : memref<!tpu.dma_semaphore, #tpu.memory_space<semaphore_mem>>) src(%arg9 : memref<128x128xf32, #tpu.memory_space<vmem>>) dst(%dma_wait3A_43 : memref<128x128xf32, #tpu.memory_space<vmem_shared>>)
      tpu.yield
    }) : () -> ()
    %mul3A_10 = arith.constant 640 : i32
    %mul3A_11 = arith.muli %arg1, %mul3A_10 : i32
    %add3A_12 = arith.constant 128 : i32
    %add3A_13 = arith.addi %mul3A_11, %add3A_12 : i32
    "tpu.region"() ({
      %run_scoped3A = tpu.sem_alloc : memref<!tpu.dma_semaphore, #tpu.memory_space<semaphore_mem>>
      %dma_start3A = arith.constant 0 : i32
      %dma_start3A_38 = tpu.memref_slice %arg6[%add3A_13, %dma_start3A] : memref<10240x128xf32, #tpu.memory_space<vmem_shared>> -> memref<128x128xf32, #tpu.memory_space<vmem_shared>>
      %dma_start3A_39 = arith.constant 0 : i32
      %dma_start3A_40 = tpu.memref_slice %arg6[%add3A_13, %dma_start3A_39] : memref<10240x128xf32, #tpu.memory_space<vmem_shared>> -> memref<128x128xf32, #tpu.memory_space<vmem_shared>>
      tpu.enqueue_dma source(%arg9 : memref<128x128xf32, #tpu.memory_space<vmem>>) target(%dma_start3A_40 : memref<128x128xf32, #tpu.memory_space<vmem_shared>>) target_semaphore(%run_scoped3A : memref<!tpu.dma_semaphore, #tpu.memory_space<semaphore_mem>>)
      %dma_wait3A = arith.constant 0 : i32
      %dma_wait3A_41 = tpu.memref_slice %arg6[%add3A_13, %dma_wait3A] : memref<10240x128xf32, #tpu.memory_space<vmem_shared>> -> memref<128x128xf32, #tpu.memory_space<vmem_shared>>
      %dma_wait3A_42 = arith.constant 0 : i32
      %dma_wait3A_43 = tpu.memref_slice %arg6[%add3A_13, %dma_wait3A_42] : memref<10240x128xf32, #tpu.memory_space<vmem_shared>> -> memref<128x128xf32, #tpu.memory_space<vmem_shared>>
      tpu.wait_dma2 semaphore(%run_scoped3A : memref<!tpu.dma_semaphore, #tpu.memory_space<semaphore_mem>>) src(%arg9 : memref<128x128xf32, #tpu.memory_space<vmem>>) dst(%dma_wait3A_43 : memref<128x128xf32, #tpu.memory_space<vmem_shared>>)
      tpu.yield
    }) : () -> ()
    %mul3A_14 = arith.constant 640 : i32
    %mul3A_15 = arith.muli %arg1, %mul3A_14 : i32
    %add3A_16 = arith.constant 256 : i32
    %add3A_17 = arith.addi %mul3A_15, %add3A_16 : i32
    "tpu.region"() ({
      %run_scoped3A = tpu.sem_alloc : memref<!tpu.dma_semaphore, #tpu.memory_space<semaphore_mem>>
      %dma_start3A = arith.constant 0 : i32
      %dma_start3A_38 = tpu.memref_slice %arg6[%add3A_17, %dma_start3A] : memref<10240x128xf32, #tpu.memory_space<vmem_shared>> -> memref<128x128xf32, #tpu.memory_space<vmem_shared>>
      %dma_start3A_39 = arith.constant 0 : i32
      %dma_start3A_40 = tpu.memref_slice %arg6[%add3A_17, %dma_start3A_39] : memref<10240x128xf32, #tpu.memory_space<vmem_shared>> -> memref<128x128xf32, #tpu.memory_space<vmem_shared>>
      tpu.enqueue_dma source(%arg9 : memref<128x128xf32, #tpu.memory_space<vmem>>) target(%dma_start3A_40 : memref<128x128xf32, #tpu.memory_space<vmem_shared>>) target_semaphore(%run_scoped3A : memref<!tpu.dma_semaphore, #tpu.memory_space<semaphore_mem>>)
      %dma_wait3A = arith.constant 0 : i32
      %dma_wait3A_41 = tpu.memref_slice %arg6[%add3A_17, %dma_wait3A] : memref<10240x128xf32, #tpu.memory_space<vmem_shared>> -> memref<128x128xf32, #tpu.memory_space<vmem_shared>>
      %dma_wait3A_42 = arith.constant 0 : i32
      %dma_wait3A_43 = tpu.memref_slice %arg6[%add3A_17, %dma_wait3A_42] : memref<10240x128xf32, #tpu.memory_space<vmem_shared>> -> memref<128x128xf32, #tpu.memory_space<vmem_shared>>
      tpu.wait_dma2 semaphore(%run_scoped3A : memref<!tpu.dma_semaphore, #tpu.memory_space<semaphore_mem>>) src(%arg9 : memref<128x128xf32, #tpu.memory_space<vmem>>) dst(%dma_wait3A_43 : memref<128x128xf32, #tpu.memory_space<vmem_shared>>)
      tpu.yield
    }) : () -> ()
    %mul3A_18 = arith.constant 640 : i32
    %mul3A_19 = arith.muli %arg1, %mul3A_18 : i32
    %add3A_20 = arith.constant 384 : i32
    %add3A_21 = arith.addi %mul3A_19, %add3A_20 : i32
    "tpu.region"() ({
      %run_scoped3A = tpu.sem_alloc : memref<!tpu.dma_semaphore, #tpu.memory_space<semaphore_mem>>
      %dma_start3A = arith.constant 0 : i32
      %dma_start3A_38 = tpu.memref_slice %arg6[%add3A_21, %dma_start3A] : memref<10240x128xf32, #tpu.memory_space<vmem_shared>> -> memref<128x128xf32, #tpu.memory_space<vmem_shared>>
      %dma_start3A_39 = arith.constant 0 : i32
      %dma_start3A_40 = tpu.memref_slice %arg6[%add3A_21, %dma_start3A_39] : memref<10240x128xf32, #tpu.memory_space<vmem_shared>> -> memref<128x128xf32, #tpu.memory_space<vmem_shared>>
      tpu.enqueue_dma source(%arg9 : memref<128x128xf32, #tpu.memory_space<vmem>>) target(%dma_start3A_40 : memref<128x128xf32, #tpu.memory_space<vmem_shared>>) target_semaphore(%run_scoped3A : memref<!tpu.dma_semaphore, #tpu.memory_space<semaphore_mem>>)
      %dma_wait3A = arith.constant 0 : i32
      %dma_wait3A_41 = tpu.memref_slice %arg6[%add3A_21, %dma_wait3A] : memref<10240x128xf32, #tpu.memory_space<vmem_shared>> -> memref<128x128xf32, #tpu.memory_space<vmem_shared>>
      %dma_wait3A_42 = arith.constant 0 : i32
      %dma_wait3A_43 = tpu.memref_slice %arg6[%add3A_21, %dma_wait3A_42] : memref<10240x128xf32, #tpu.memory_space<vmem_shared>> -> memref<128x128xf32, #tpu.memory_space<vmem_shared>>
      tpu.wait_dma2 semaphore(%run_scoped3A : memref<!tpu.dma_semaphore, #tpu.memory_space<semaphore_mem>>) src(%arg9 : memref<128x128xf32, #tpu.memory_space<vmem>>) dst(%dma_wait3A_43 : memref<128x128xf32, #tpu.memory_space<vmem_shared>>)
      tpu.yield
    }) : () -> ()
    %mul3A_22 = arith.constant 640 : i32
    %mul3A_23 = arith.muli %arg1, %mul3A_22 : i32
    %add3A_24 = arith.constant 512 : i32
    %add3A_25 = arith.addi %mul3A_23, %add3A_24 : i32
    "tpu.region"() ({
      %run_scoped3A = tpu.sem_alloc : memref<!tpu.dma_semaphore, #tpu.memory_space<semaphore_mem>>
      %dma_start3A = arith.constant 0 : i32
      %dma_start3A_38 = tpu.memref_slice %arg6[%add3A_25, %dma_start3A] : memref<10240x128xf32, #tpu.memory_space<vmem_shared>> -> memref<128x128xf32, #tpu.memory_space<vmem_shared>>
      %dma_start3A_39 = arith.constant 0 : i32
      %dma_start3A_40 = tpu.memref_slice %arg6[%add3A_25, %dma_start3A_39] : memref<10240x128xf32, #tpu.memory_space<vmem_shared>> -> memref<128x128xf32, #tpu.memory_space<vmem_shared>>
      tpu.enqueue_dma source(%arg9 : memref<128x128xf32, #tpu.memory_space<vmem>>) target(%dma_start3A_40 : memref<128x128xf32, #tpu.memory_space<vmem_shared>>) target_semaphore(%run_scoped3A : memref<!tpu.dma_semaphore, #tpu.memory_space<semaphore_mem>>)
      %dma_wait3A = arith.constant 0 : i32
      %dma_wait3A_41 = tpu.memref_slice %arg6[%add3A_25, %dma_wait3A] : memref<10240x128xf32, #tpu.memory_space<vmem_shared>> -> memref<128x128xf32, #tpu.memory_space<vmem_shared>>
      %dma_wait3A_42 = arith.constant 0 : i32
      %dma_wait3A_43 = tpu.memref_slice %arg6[%add3A_25, %dma_wait3A_42] : memref<10240x128xf32, #tpu.memory_space<vmem_shared>> -> memref<128x128xf32, #tpu.memory_space<vmem_shared>>
      tpu.wait_dma2 semaphore(%run_scoped3A : memref<!tpu.dma_semaphore, #tpu.memory_space<semaphore_mem>>) src(%arg9 : memref<128x128xf32, #tpu.memory_space<vmem>>) dst(%dma_wait3A_43 : memref<128x128xf32, #tpu.memory_space<vmem_shared>>)
      tpu.yield
    }) : () -> ()
    %barrier3A = arith.constant 0 : index
    tpu.barrier barrier_id(%barrier3A)
    %eq3A = arith.constant 1 : i32
    %eq3A_26 = arith.cmpi eq, %arg0, %eq3A : i32
    %convert_element_type3A = arith.extui %eq3A_26 : i1 to i32
    %cond3A = arith.constant 0 : i32
    %cond3A_27 = arith.cmpi ne, %convert_element_type3A, %cond3A : i32
    scf.if %cond3A_27 {
      "tpu.region"() ({
        %run_scoped3A = tpu.sem_alloc : memref<!tpu.dma_semaphore, #tpu.memory_space<semaphore_mem>>
        %dma_start3A = arith.constant 0 : i32
        %dma_start3A_50 = arith.constant 0 : i32
        %dma_start3A_51 = tpu.memref_slice %arg3[%add3A, %dma_start3A, %dma_start3A_50] : memref<32x80x128xi32, #tpu.memory_space<hbm>> -> memref<1x80x128xi32, #tpu.memory_space<hbm>>
        %dma_start3A_52 = tpu.memref_squeeze %dma_start3A_51 : memref<1x80x128xi32, #tpu.memory_space<hbm>> -> memref<80x128xi32, #tpu.memory_space<hbm>>
        %dma_start3A_53 = arith.constant 0 : i32
        %dma_start3A_54 = arith.constant 0 : i32
        %dma_start3A_55 = tpu.memref_slice %dma_start3A_52[%dma_start3A_53, %dma_start3A_54] : memref<80x128xi32, #tpu.memory_space<hbm>> -> memref<40x128xi32, #tpu.memory_space<hbm>>
        %dma_start3A_56 = arith.constant 0 : i32
        %dma_start3A_57 = arith.constant 0 : i32
        %dma_start3A_58 = tpu.memref_slice %arg3[%add3A, %dma_start3A_56, %dma_start3A_57] : memref<32x80x128xi32, #tpu.memory_space<hbm>> -> memref<1x80x128xi32, #tpu.memory_space<hbm>>
        %dma_start3A_59 = tpu.memref_squeeze %dma_start3A_58 : memref<1x80x128xi32, #tpu.memory_space<hbm>> -> memref<80x128xi32, #tpu.memory_space<hbm>>
        %dma_start3A_60 = arith.constant 0 : i32
        %dma_start3A_61 = arith.constant 0 : i32
        %dma_start3A_62 = tpu.memref_slice %dma_start3A_59[%dma_start3A_60, %dma_start3A_61] : memref<80x128xi32, #tpu.memory_space<hbm>> -> memref<40x128xi32, #tpu.memory_space<hbm>>
        tpu.enqueue_dma source(%dma_start3A_62 : memref<40x128xi32, #tpu.memory_space<hbm>>) target(%arg7 : memref<40x128xi32, #tpu.memory_space<vmem>>) target_semaphore(%run_scoped3A : memref<!tpu.dma_semaphore, #tpu.memory_space<semaphore_mem>>)
        %dma_wait3A = arith.constant 0 : i32
        %dma_wait3A_63 = arith.constant 0 : i32
        %dma_wait3A_64 = tpu.memref_slice %arg3[%add3A, %dma_wait3A, %dma_wait3A_63] : memref<32x80x128xi32, #tpu.memory_space<hbm>> -> memref<1x80x128xi32, #tpu.memory_space<hbm>>
        %dma_wait3A_65 = tpu.memref_squeeze %dma_wait3A_64 : memref<1x80x128xi32, #tpu.memory_space<hbm>> -> memref<80x128xi32, #tpu.memory_space<hbm>>
        %dma_wait3A_66 = arith.constant 0 : i32
        %dma_wait3A_67 = arith.constant 0 : i32
        %dma_wait3A_68 = tpu.memref_slice %dma_wait3A_65[%dma_wait3A_66, %dma_wait3A_67] : memref<80x128xi32, #tpu.memory_space<hbm>> -> memref<40x128xi32, #tpu.memory_space<hbm>>
        %dma_wait3A_69 = arith.constant 0 : i32
        %dma_wait3A_70 = arith.constant 0 : i32
        %dma_wait3A_71 = tpu.memref_slice %arg3[%add3A, %dma_wait3A_69, %dma_wait3A_70] : memref<32x80x128xi32, #tpu.memory_space<hbm>> -> memref<1x80x128xi32, #tpu.memory_space<hbm>>
        %dma_wait3A_72 = tpu.memref_squeeze %dma_wait3A_71 : memref<1x80x128xi32, #tpu.memory_space<hbm>> -> memref<80x128xi32, #tpu.memory_space<hbm>>
        %dma_wait3A_73 = arith.constant 0 : i32
        %dma_wait3A_74 = arith.constant 0 : i32
        %dma_wait3A_75 = tpu.memref_slice %dma_wait3A_72[%dma_wait3A_73, %dma_wait3A_74] : memref<80x128xi32, #tpu.memory_space<hbm>> -> memref<40x128xi32, #tpu.memory_space<hbm>>
        tpu.wait_dma2 semaphore(%run_scoped3A : memref<!tpu.dma_semaphore, #tpu.memory_space<semaphore_mem>>) src(%dma_wait3A_75 : memref<40x128xi32, #tpu.memory_space<hbm>>) dst(%arg7 : memref<40x128xi32, #tpu.memory_space<vmem>>)
        tpu.yield
      }) : () -> ()
      "tpu.region"() ({
        %run_scoped3A = tpu.sem_alloc : memref<!tpu.dma_semaphore, #tpu.memory_space<semaphore_mem>>
        %dma_start3A = arith.constant 0 : i32
        %dma_start3A_50 = arith.constant 0 : i32
        %dma_start3A_51 = tpu.memref_slice %arg4[%add3A, %dma_start3A, %dma_start3A_50] : memref<32x80x128xi32, #tpu.memory_space<hbm>> -> memref<1x80x128xi32, #tpu.memory_space<hbm>>
        %dma_start3A_52 = tpu.memref_squeeze %dma_start3A_51 : memref<1x80x128xi32, #tpu.memory_space<hbm>> -> memref<80x128xi32, #tpu.memory_space<hbm>>
        %dma_start3A_53 = arith.constant 0 : i32
        %dma_start3A_54 = arith.constant 0 : i32
        %dma_start3A_55 = tpu.memref_slice %dma_start3A_52[%dma_start3A_53, %dma_start3A_54] : memref<80x128xi32, #tpu.memory_space<hbm>> -> memref<40x128xi32, #tpu.memory_space<hbm>>
        %dma_start3A_56 = arith.constant 0 : i32
        %dma_start3A_57 = arith.constant 0 : i32
        %dma_start3A_58 = tpu.memref_slice %arg4[%add3A, %dma_start3A_56, %dma_start3A_57] : memref<32x80x128xi32, #tpu.memory_space<hbm>> -> memref<1x80x128xi32, #tpu.memory_space<hbm>>
        %dma_start3A_59 = tpu.memref_squeeze %dma_start3A_58 : memref<1x80x128xi32, #tpu.memory_space<hbm>> -> memref<80x128xi32, #tpu.memory_space<hbm>>
        %dma_start3A_60 = arith.constant 0 : i32
        %dma_start3A_61 = arith.constant 0 : i32
        %dma_start3A_62 = tpu.memref_slice %dma_start3A_59[%dma_start3A_60, %dma_start3A_61] : memref<80x128xi32, #tpu.memory_space<hbm>> -> memref<40x128xi32, #tpu.memory_space<hbm>>
        tpu.enqueue_dma source(%dma_start3A_62 : memref<40x128xi32, #tpu.memory_space<hbm>>) target(%arg8 : memref<40x128xi32, #tpu.memory_space<vmem>>) target_semaphore(%run_scoped3A : memref<!tpu.dma_semaphore, #tpu.memory_space<semaphore_mem>>)
        %dma_wait3A = arith.constant 0 : i32
        %dma_wait3A_63 = arith.constant 0 : i32
        %dma_wait3A_64 = tpu.memref_slice %arg4[%add3A, %dma_wait3A, %dma_wait3A_63] : memref<32x80x128xi32, #tpu.memory_space<hbm>> -> memref<1x80x128xi32, #tpu.memory_space<hbm>>
        %dma_wait3A_65 = tpu.memref_squeeze %dma_wait3A_64 : memref<1x80x128xi32, #tpu.memory_space<hbm>> -> memref<80x128xi32, #tpu.memory_space<hbm>>
        %dma_wait3A_66 = arith.constant 0 : i32
        %dma_wait3A_67 = arith.constant 0 : i32
        %dma_wait3A_68 = tpu.memref_slice %dma_wait3A_65[%dma_wait3A_66, %dma_wait3A_67] : memref<80x128xi32, #tpu.memory_space<hbm>> -> memref<40x128xi32, #tpu.memory_space<hbm>>
        %dma_wait3A_69 = arith.constant 0 : i32
        %dma_wait3A_70 = arith.constant 0 : i32
        %dma_wait3A_71 = tpu.memref_slice %arg4[%add3A, %dma_wait3A_69, %dma_wait3A_70] : memref<32x80x128xi32, #tpu.memory_space<hbm>> -> memref<1x80x128xi32, #tpu.memory_space<hbm>>
        %dma_wait3A_72 = tpu.memref_squeeze %dma_wait3A_71 : memref<1x80x128xi32, #tpu.memory_space<hbm>> -> memref<80x128xi32, #tpu.memory_space<hbm>>
        %dma_wait3A_73 = arith.constant 0 : i32
        %dma_wait3A_74 = arith.constant 0 : i32
        %dma_wait3A_75 = tpu.memref_slice %dma_wait3A_72[%dma_wait3A_73, %dma_wait3A_74] : memref<80x128xi32, #tpu.memory_space<hbm>> -> memref<40x128xi32, #tpu.memory_space<hbm>>
        tpu.wait_dma2 semaphore(%run_scoped3A : memref<!tpu.dma_semaphore, #tpu.memory_space<semaphore_mem>>) src(%dma_wait3A_75 : memref<40x128xi32, #tpu.memory_space<hbm>>) dst(%arg8 : memref<40x128xi32, #tpu.memory_space<vmem>>)
        tpu.yield
      }) : () -> ()
      %scan3A_38 = arith.constant 0 : i32
      %scan3A_39 = arith.constant 0 : i32
      %scan3A_40 = arith.constant 20 : i32
      %scan3A_41 = arith.addi %scan3A_39, %scan3A_40 : i32
      %scan3A_42 = arith.constant 1 : i32
      scf.for %scan3A_50 = %scan3A_39 to %scan3A_41 step %scan3A_42  : i32 {
        %mul3A_51 = arith.constant 2 : i32
        %mul3A_52 = arith.muli %scan3A_50, %mul3A_51 : i32
        %dma_start3A = arith.constant 0 : i32
        %dma_start3A_53 = tpu.memref_slice %arg7[%mul3A_52, %dma_start3A] : memref<40x128xi32, #tpu.memory_space<vmem>> -> memref<1x128xi32, #tpu.memory_space<vmem>>
        %dma_start3A_54 = tpu.memref_squeeze %dma_start3A_53 : memref<1x128xi32, #tpu.memory_space<vmem>> -> memref<128xi32, #tpu.memory_space<vmem>>
        %dma_start3A_55 = arith.constant 0 : i32
        %dma_start3A_56 = arith.constant 0 : i32
        %dma_start3A_57 = tpu.memref_slice %arg2[%dma_start3A_55, %dma_start3A_56] : memref<10000x128xf32, #tpu.memory_space<hbm>> -> memref<10000x128xf32, #tpu.memory_space<hbm>>
        tpu.enqueue_indirect_dma source(%dma_start3A_57 : memref<10000x128xf32, #tpu.memory_space<hbm>>) target(%arg9 : memref<128x128xf32, #tpu.memory_space<vmem>>) offsets(%dma_start3A_54 : memref<128xi32, #tpu.memory_space<vmem>>) semaphore(%arg11 : memref<!tpu.dma_semaphore, #tpu.memory_space<semaphore_mem>>)
        %add3A_58 = arith.constant 1 : i32
        %add3A_59 = arith.addi %mul3A_52, %add3A_58 : i32
        %dma_start3A_60 = arith.constant 0 : i32
        %dma_start3A_61 = tpu.memref_slice %arg7[%add3A_59, %dma_start3A_60] : memref<40x128xi32, #tpu.memory_space<vmem>> -> memref<1x128xi32, #tpu.memory_space<vmem>>
        %dma_start3A_62 = tpu.memref_squeeze %dma_start3A_61 : memref<1x128xi32, #tpu.memory_space<vmem>> -> memref<128xi32, #tpu.memory_space<vmem>>
        %dma_start3A_63 = arith.constant 0 : i32
        %dma_start3A_64 = arith.constant 0 : i32
        %dma_start3A_65 = tpu.memref_slice %arg2[%dma_start3A_63, %dma_start3A_64] : memref<10000x128xf32, #tpu.memory_space<hbm>> -> memref<10000x128xf32, #tpu.memory_space<hbm>>
        tpu.enqueue_indirect_dma source(%dma_start3A_65 : memref<10000x128xf32, #tpu.memory_space<hbm>>) target(%arg10 : memref<128x128xf32, #tpu.memory_space<vmem>>) offsets(%dma_start3A_62 : memref<128xi32, #tpu.memory_space<vmem>>) semaphore(%arg12 : memref<!tpu.dma_semaphore, #tpu.memory_space<semaphore_mem>>)
        %dma_wait3A = arith.constant 0 : i32
        %dma_wait3A_66 = tpu.memref_slice %arg7[%mul3A_52, %dma_wait3A] : memref<40x128xi32, #tpu.memory_space<vmem>> -> memref<1x128xi32, #tpu.memory_space<vmem>>
        %dma_wait3A_67 = tpu.memref_squeeze %dma_wait3A_66 : memref<1x128xi32, #tpu.memory_space<vmem>> -> memref<128xi32, #tpu.memory_space<vmem>>
        %dma_wait3A_68 = arith.constant 0 : i32
        %dma_wait3A_69 = arith.constant 0 : i32
        %dma_wait3A_70 = tpu.memref_slice %arg2[%dma_wait3A_68, %dma_wait3A_69] : memref<10000x128xf32, #tpu.memory_space<hbm>> -> memref<10000x128xf32, #tpu.memory_space<hbm>>
        tpu.wait_indirect_dma semaphore(%arg11 : memref<!tpu.dma_semaphore, #tpu.memory_space<semaphore_mem>>) src(%dma_wait3A_70 : memref<10000x128xf32, #tpu.memory_space<hbm>>) dst(%arg9 : memref<128x128xf32, #tpu.memory_space<vmem>>)
        %add3A_71 = arith.constant 1 : i32
        %add3A_72 = arith.addi %mul3A_52, %add3A_71 : i32
        %dma_wait3A_73 = arith.constant 0 : i32
        %dma_wait3A_74 = tpu.memref_slice %arg7[%add3A_72, %dma_wait3A_73] : memref<40x128xi32, #tpu.memory_space<vmem>> -> memref<1x128xi32, #tpu.memory_space<vmem>>
        %dma_wait3A_75 = tpu.memref_squeeze %dma_wait3A_74 : memref<1x128xi32, #tpu.memory_space<vmem>> -> memref<128xi32, #tpu.memory_space<vmem>>
        %dma_wait3A_76 = arith.constant 0 : i32
        %dma_wait3A_77 = arith.constant 0 : i32
        %dma_wait3A_78 = tpu.memref_slice %arg2[%dma_wait3A_76, %dma_wait3A_77] : memref<10000x128xf32, #tpu.memory_space<hbm>> -> memref<10000x128xf32, #tpu.memory_space<hbm>>
        tpu.wait_indirect_dma semaphore(%arg12 : memref<!tpu.dma_semaphore, #tpu.memory_space<semaphore_mem>>) src(%dma_wait3A_78 : memref<10000x128xf32, #tpu.memory_space<hbm>>) dst(%arg10 : memref<128x128xf32, #tpu.memory_space<vmem>>)
      }
      %scan3A_43 = arith.constant 20 : i32
      "tpu.region"() ({
        %run_scoped3A = tpu.sem_alloc : memref<!tpu.dma_semaphore, #tpu.memory_space<semaphore_mem>>
        %dma_start3A = arith.constant 0 : i32
        %dma_start3A_50 = arith.constant 0 : i32
        %dma_start3A_51 = tpu.memref_slice %arg3[%add3A, %dma_start3A, %dma_start3A_50] : memref<32x80x128xi32, #tpu.memory_space<hbm>> -> memref<1x80x128xi32, #tpu.memory_space<hbm>>
        %dma_start3A_52 = tpu.memref_squeeze %dma_start3A_51 : memref<1x80x128xi32, #tpu.memory_space<hbm>> -> memref<80x128xi32, #tpu.memory_space<hbm>>
        %dma_start3A_53 = arith.constant 40 : i32
        %dma_start3A_54 = arith.constant 0 : i32
        %dma_start3A_55 = tpu.memref_slice %dma_start3A_52[%dma_start3A_53, %dma_start3A_54] : memref<80x128xi32, #tpu.memory_space<hbm>> -> memref<40x128xi32, #tpu.memory_space<hbm>>
        %dma_start3A_56 = arith.constant 0 : i32
        %dma_start3A_57 = arith.constant 0 : i32
        %dma_start3A_58 = tpu.memref_slice %arg3[%add3A, %dma_start3A_56, %dma_start3A_57] : memref<32x80x128xi32, #tpu.memory_space<hbm>> -> memref<1x80x128xi32, #tpu.memory_space<hbm>>
        %dma_start3A_59 = tpu.memref_squeeze %dma_start3A_58 : memref<1x80x128xi32, #tpu.memory_space<hbm>> -> memref<80x128xi32, #tpu.memory_space<hbm>>
        %dma_start3A_60 = arith.constant 40 : i32
        %dma_start3A_61 = arith.constant 0 : i32
        %dma_start3A_62 = tpu.memref_slice %dma_start3A_59[%dma_start3A_60, %dma_start3A_61] : memref<80x128xi32, #tpu.memory_space<hbm>> -> memref<40x128xi32, #tpu.memory_space<hbm>>
        tpu.enqueue_dma source(%dma_start3A_62 : memref<40x128xi32, #tpu.memory_space<hbm>>) target(%arg7 : memref<40x128xi32, #tpu.memory_space<vmem>>) target_semaphore(%run_scoped3A : memref<!tpu.dma_semaphore, #tpu.memory_space<semaphore_mem>>)
        %dma_wait3A = arith.constant 0 : i32
        %dma_wait3A_63 = arith.constant 0 : i32
        %dma_wait3A_64 = tpu.memref_slice %arg3[%add3A, %dma_wait3A, %dma_wait3A_63] : memref<32x80x128xi32, #tpu.memory_space<hbm>> -> memref<1x80x128xi32, #tpu.memory_space<hbm>>
        %dma_wait3A_65 = tpu.memref_squeeze %dma_wait3A_64 : memref<1x80x128xi32, #tpu.memory_space<hbm>> -> memref<80x128xi32, #tpu.memory_space<hbm>>
        %dma_wait3A_66 = arith.constant 40 : i32
        %dma_wait3A_67 = arith.constant 0 : i32
        %dma_wait3A_68 = tpu.memref_slice %dma_wait3A_65[%dma_wait3A_66, %dma_wait3A_67] : memref<80x128xi32, #tpu.memory_space<hbm>> -> memref<40x128xi32, #tpu.memory_space<hbm>>
        %dma_wait3A_69 = arith.constant 0 : i32
        %dma_wait3A_70 = arith.constant 0 : i32
        %dma_wait3A_71 = tpu.memref_slice %arg3[%add3A, %dma_wait3A_69, %dma_wait3A_70] : memref<32x80x128xi32, #tpu.memory_space<hbm>> -> memref<1x80x128xi32, #tpu.memory_space<hbm>>
        %dma_wait3A_72 = tpu.memref_squeeze %dma_wait3A_71 : memref<1x80x128xi32, #tpu.memory_space<hbm>> -> memref<80x128xi32, #tpu.memory_space<hbm>>
        %dma_wait3A_73 = arith.constant 40 : i32
        %dma_wait3A_74 = arith.constant 0 : i32
        %dma_wait3A_75 = tpu.memref_slice %dma_wait3A_72[%dma_wait3A_73, %dma_wait3A_74] : memref<80x128xi32, #tpu.memory_space<hbm>> -> memref<40x128xi32, #tpu.memory_space<hbm>>
        tpu.wait_dma2 semaphore(%run_scoped3A : memref<!tpu.dma_semaphore, #tpu.memory_space<semaphore_mem>>) src(%dma_wait3A_75 : memref<40x128xi32, #tpu.memory_space<hbm>>) dst(%arg7 : memref<40x128xi32, #tpu.memory_space<vmem>>)
        tpu.yield
      }) : () -> ()
      "tpu.region"() ({
        %run_scoped3A = tpu.sem_alloc : memref<!tpu.dma_semaphore, #tpu.memory_space<semaphore_mem>>
        %dma_start3A = arith.constant 0 : i32
        %dma_start3A_50 = arith.constant 0 : i32
        %dma_start3A_51 = tpu.memref_slice %arg4[%add3A, %dma_start3A, %dma_start3A_50] : memref<32x80x128xi32, #tpu.memory_space<hbm>> -> memref<1x80x128xi32, #tpu.memory_space<hbm>>
        %dma_start3A_52 = tpu.memref_squeeze %dma_start3A_51 : memref<1x80x128xi32, #tpu.memory_space<hbm>> -> memref<80x128xi32, #tpu.memory_space<hbm>>
        %dma_start3A_53 = arith.constant 40 : i32
        %dma_start3A_54 = arith.constant 0 : i32
        %dma_start3A_55 = tpu.memref_slice %dma_start3A_52[%dma_start3A_53, %dma_start3A_54] : memref<80x128xi32, #tpu.memory_space<hbm>> -> memref<40x128xi32, #tpu.memory_space<hbm>>
        %dma_start3A_56 = arith.constant 0 : i32
        %dma_start3A_57 = arith.constant 0 : i32
        %dma_start3A_58 = tpu.memref_slice %arg4[%add3A, %dma_start3A_56, %dma_start3A_57] : memref<32x80x128xi32, #tpu.memory_space<hbm>> -> memref<1x80x128xi32, #tpu.memory_space<hbm>>
        %dma_start3A_59 = tpu.memref_squeeze %dma_start3A_58 : memref<1x80x128xi32, #tpu.memory_space<hbm>> -> memref<80x128xi32, #tpu.memory_space<hbm>>
        %dma_start3A_60 = arith.constant 40 : i32
        %dma_start3A_61 = arith.constant 0 : i32
        %dma_start3A_62 = tpu.memref_slice %dma_start3A_59[%dma_start3A_60, %dma_start3A_61] : memref<80x128xi32, #tpu.memory_space<hbm>> -> memref<40x128xi32, #tpu.memory_space<hbm>>
        tpu.enqueue_dma source(%dma_start3A_62 : memref<40x128xi32, #tpu.memory_space<hbm>>) target(%arg8 : memref<40x128xi32, #tpu.memory_space<vmem>>) target_semaphore(%run_scoped3A : memref<!tpu.dma_semaphore, #tpu.memory_space<semaphore_mem>>)
        %dma_wait3A = arith.constant 0 : i32
        %dma_wait3A_63 = arith.constant 0 : i32
        %dma_wait3A_64 = tpu.memref_slice %arg4[%add3A, %dma_wait3A, %dma_wait3A_63] : memref<32x80x128xi32, #tpu.memory_space<hbm>> -> memref<1x80x128xi32, #tpu.memory_space<hbm>>
        %dma_wait3A_65 = tpu.memref_squeeze %dma_wait3A_64 : memref<1x80x128xi32, #tpu.memory_space<hbm>> -> memref<80x128xi32, #tpu.memory_space<hbm>>
        %dma_wait3A_66 = arith.constant 40 : i32
        %dma_wait3A_67 = arith.constant 0 : i32
        %dma_wait3A_68 = tpu.memref_slice %dma_wait3A_65[%dma_wait3A_66, %dma_wait3A_67] : memref<80x128xi32, #tpu.memory_space<hbm>> -> memref<40x128xi32, #tpu.memory_space<hbm>>
        %dma_wait3A_69 = arith.constant 0 : i32
        %dma_wait3A_70 = arith.constant 0 : i32
        %dma_wait3A_71 = tpu.memref_slice %arg4[%add3A, %dma_wait3A_69, %dma_wait3A_70] : memref<32x80x128xi32, #tpu.memory_space<hbm>> -> memref<1x80x128xi32, #tpu.memory_space<hbm>>
        %dma_wait3A_72 = tpu.memref_squeeze %dma_wait3A_71 : memref<1x80x128xi32, #tpu.memory_space<hbm>> -> memref<80x128xi32, #tpu.memory_space<hbm>>
        %dma_wait3A_73 = arith.constant 40 : i32
        %dma_wait3A_74 = arith.constant 0 : i32
        %dma_wait3A_75 = tpu.memref_slice %dma_wait3A_72[%dma_wait3A_73, %dma_wait3A_74] : memref<80x128xi32, #tpu.memory_space<hbm>> -> memref<40x128xi32, #tpu.memory_space<hbm>>
        tpu.wait_dma2 semaphore(%run_scoped3A : memref<!tpu.dma_semaphore, #tpu.memory_space<semaphore_mem>>) src(%dma_wait3A_75 : memref<40x128xi32, #tpu.memory_space<hbm>>) dst(%arg8 : memref<40x128xi32, #tpu.memory_space<vmem>>)
        tpu.yield
      }) : () -> ()
      %scan3A_44 = arith.constant 0 : i32
      %scan3A_45 = arith.constant 0 : i32
      %scan3A_46 = arith.constant 20 : i32
      %scan3A_47 = arith.addi %scan3A_45, %scan3A_46 : i32
      %scan3A_48 = arith.constant 1 : i32
      scf.for %scan3A_50 = %scan3A_45 to %scan3A_47 step %scan3A_48  : i32 {
        %mul3A_51 = arith.constant 2 : i32
        %mul3A_52 = arith.muli %scan3A_50, %mul3A_51 : i32
        %dma_start3A = arith.constant 0 : i32
        %dma_start3A_53 = tpu.memref_slice %arg7[%mul3A_52, %dma_start3A] : memref<40x128xi32, #tpu.memory_space<vmem>> -> memref<1x128xi32, #tpu.memory_space<vmem>>
        %dma_start3A_54 = tpu.memref_squeeze %dma_start3A_53 : memref<1x128xi32, #tpu.memory_space<vmem>> -> memref<128xi32, #tpu.memory_space<vmem>>
        %dma_start3A_55 = arith.constant 0 : i32
        %dma_start3A_56 = arith.constant 0 : i32
        %dma_start3A_57 = tpu.memref_slice %arg2[%dma_start3A_55, %dma_start3A_56] : memref<10000x128xf32, #tpu.memory_space<hbm>> -> memref<10000x128xf32, #tpu.memory_space<hbm>>
        tpu.enqueue_indirect_dma source(%dma_start3A_57 : memref<10000x128xf32, #tpu.memory_space<hbm>>) target(%arg9 : memref<128x128xf32, #tpu.memory_space<vmem>>) offsets(%dma_start3A_54 : memref<128xi32, #tpu.memory_space<vmem>>) semaphore(%arg11 : memref<!tpu.dma_semaphore, #tpu.memory_space<semaphore_mem>>)
        %add3A_58 = arith.constant 1 : i32
        %add3A_59 = arith.addi %mul3A_52, %add3A_58 : i32
        %dma_start3A_60 = arith.constant 0 : i32
        %dma_start3A_61 = tpu.memref_slice %arg7[%add3A_59, %dma_start3A_60] : memref<40x128xi32, #tpu.memory_space<vmem>> -> memref<1x128xi32, #tpu.memory_space<vmem>>
        %dma_start3A_62 = tpu.memref_squeeze %dma_start3A_61 : memref<1x128xi32, #tpu.memory_space<vmem>> -> memref<128xi32, #tpu.memory_space<vmem>>
        %dma_start3A_63 = arith.constant 0 : i32
        %dma_start3A_64 = arith.constant 0 : i32
        %dma_start3A_65 = tpu.memref_slice %arg2[%dma_start3A_63, %dma_start3A_64] : memref<10000x128xf32, #tpu.memory_space<hbm>> -> memref<10000x128xf32, #tpu.memory_space<hbm>>
        tpu.enqueue_indirect_dma source(%dma_start3A_65 : memref<10000x128xf32, #tpu.memory_space<hbm>>) target(%arg10 : memref<128x128xf32, #tpu.memory_space<vmem>>) offsets(%dma_start3A_62 : memref<128xi32, #tpu.memory_space<vmem>>) semaphore(%arg12 : memref<!tpu.dma_semaphore, #tpu.memory_space<semaphore_mem>>)
        %dma_wait3A = arith.constant 0 : i32
        %dma_wait3A_66 = tpu.memref_slice %arg7[%mul3A_52, %dma_wait3A] : memref<40x128xi32, #tpu.memory_space<vmem>> -> memref<1x128xi32, #tpu.memory_space<vmem>>
        %dma_wait3A_67 = tpu.memref_squeeze %dma_wait3A_66 : memref<1x128xi32, #tpu.memory_space<vmem>> -> memref<128xi32, #tpu.memory_space<vmem>>
        %dma_wait3A_68 = arith.constant 0 : i32
        %dma_wait3A_69 = arith.constant 0 : i32
        %dma_wait3A_70 = tpu.memref_slice %arg2[%dma_wait3A_68, %dma_wait3A_69] : memref<10000x128xf32, #tpu.memory_space<hbm>> -> memref<10000x128xf32, #tpu.memory_space<hbm>>
        tpu.wait_indirect_dma semaphore(%arg11 : memref<!tpu.dma_semaphore, #tpu.memory_space<semaphore_mem>>) src(%dma_wait3A_70 : memref<10000x128xf32, #tpu.memory_space<hbm>>) dst(%arg9 : memref<128x128xf32, #tpu.memory_space<vmem>>)
        %add3A_71 = arith.constant 1 : i32
        %add3A_72 = arith.addi %mul3A_52, %add3A_71 : i32
        %dma_wait3A_73 = arith.constant 0 : i32
        %dma_wait3A_74 = tpu.memref_slice %arg7[%add3A_72, %dma_wait3A_73] : memref<40x128xi32, #tpu.memory_space<vmem>> -> memref<1x128xi32, #tpu.memory_space<vmem>>
        %dma_wait3A_75 = tpu.memref_squeeze %dma_wait3A_74 : memref<1x128xi32, #tpu.memory_space<vmem>> -> memref<128xi32, #tpu.memory_space<vmem>>
        %dma_wait3A_76 = arith.constant 0 : i32
        %dma_wait3A_77 = arith.constant 0 : i32
        %dma_wait3A_78 = tpu.memref_slice %arg2[%dma_wait3A_76, %dma_wait3A_77] : memref<10000x128xf32, #tpu.memory_space<hbm>> -> memref<10000x128xf32, #tpu.memory_space<hbm>>
        tpu.wait_indirect_dma semaphore(%arg12 : memref<!tpu.dma_semaphore, #tpu.memory_space<semaphore_mem>>) src(%dma_wait3A_78 : memref<10000x128xf32, #tpu.memory_space<hbm>>) dst(%arg10 : memref<128x128xf32, #tpu.memory_space<vmem>>)
      }
      %scan3A_49 = arith.constant 20 : i32
    } else {
    }
    %barrier3A_28 = arith.constant 0 : index
    tpu.barrier barrier_id(%barrier3A_28)
    %lt3A = arith.constant 15 : i32
    %lt3A_29 = arith.cmpi slt, %arg1, %lt3A : i32
    %convert_element_type3A_30 = arith.extui %lt3A_29 : i1 to i32
    %cond3A_31 = arith.constant 0 : i32
    %cond3A_32 = arith.cmpi ne, %convert_element_type3A_30, %cond3A_31 : i32
    scf.if %cond3A_32 {
      %mul3A_38 = arith.constant 632 : i32
      %mul3A_39 = arith.muli %arg1, %mul3A_38 : i32
      %mul3A_40 = arith.constant 632 : i32
      %mul3A_41 = arith.muli %arg1, %mul3A_40 : i32
      "tpu.region"() ({
        %run_scoped3A = tpu.sem_alloc : memref<!tpu.dma_semaphore, #tpu.memory_space<semaphore_mem>>
        %dma_start3A = arith.constant 0 : i32
        %dma_start3A_42 = arith.constant 0 : i32
        %dma_start3A_43 = tpu.memref_slice %arg5[%arg0, %dma_start3A, %dma_start3A_42] : memref<2x10000x128xf32, #tpu.memory_space<hbm>> -> memref<1x10000x128xf32, #tpu.memory_space<hbm>>
        %dma_start3A_44 = tpu.memref_squeeze %dma_start3A_43 : memref<1x10000x128xf32, #tpu.memory_space<hbm>> -> memref<10000x128xf32, #tpu.memory_space<hbm>>
        %dma_start3A_45 = arith.constant 0 : i32
        %dma_start3A_46 = tpu.memref_slice %dma_start3A_44[%mul3A_41, %dma_start3A_45] : memref<10000x128xf32, #tpu.memory_space<hbm>> -> memref<632x128xf32, #tpu.memory_space<hbm>>
        %dma_start3A_47 = arith.constant 0 : i32
        %dma_start3A_48 = tpu.memref_slice %arg6[%mul3A_39, %dma_start3A_47] : memref<10240x128xf32, #tpu.memory_space<vmem_shared>> -> memref<632x128xf32, #tpu.memory_space<vmem_shared>>
        tpu.enqueue_dma source(%dma_start3A_48 : memref<632x128xf32, #tpu.memory_space<vmem_shared>>) target(%dma_start3A_46 : memref<632x128xf32, #tpu.memory_space<hbm>>) target_semaphore(%run_scoped3A : memref<!tpu.dma_semaphore, #tpu.memory_space<semaphore_mem>>)
        %dma_wait3A = arith.constant 0 : i32
        %dma_wait3A_49 = arith.constant 0 : i32
        %dma_wait3A_50 = tpu.memref_slice %arg5[%arg0, %dma_wait3A, %dma_wait3A_49] : memref<2x10000x128xf32, #tpu.memory_space<hbm>> -> memref<1x10000x128xf32, #tpu.memory_space<hbm>>
        %dma_wait3A_51 = tpu.memref_squeeze %dma_wait3A_50 : memref<1x10000x128xf32, #tpu.memory_space<hbm>> -> memref<10000x128xf32, #tpu.memory_space<hbm>>
        %dma_wait3A_52 = arith.constant 0 : i32
        %dma_wait3A_53 = tpu.memref_slice %dma_wait3A_51[%mul3A_41, %dma_wait3A_52] : memref<10000x128xf32, #tpu.memory_space<hbm>> -> memref<632x128xf32, #tpu.memory_space<hbm>>
        %dma_wait3A_54 = arith.constant 0 : i32
        %dma_wait3A_55 = tpu.memref_slice %arg6[%mul3A_39, %dma_wait3A_54] : memref<10240x128xf32, #tpu.memory_space<vmem_shared>> -> memref<632x128xf32, #tpu.memory_space<vmem_shared>>
        tpu.wait_dma2 semaphore(%run_scoped3A : memref<!tpu.dma_semaphore, #tpu.memory_space<semaphore_mem>>) src(%dma_wait3A_55 : memref<632x128xf32, #tpu.memory_space<vmem_shared>>) dst(%dma_wait3A_53 : memref<632x128xf32, #tpu.memory_space<hbm>>)
        tpu.yield
      }) : () -> ()
    } else {
    }
    %eq3A_33 = arith.constant 15 : i32
    %eq3A_34 = arith.cmpi eq, %arg1, %eq3A_33 : i32
    %convert_element_type3A_35 = arith.extui %eq3A_34 : i1 to i32
    %cond3A_36 = arith.constant 0 : i32
    %cond3A_37 = arith.cmpi ne, %convert_element_type3A_35, %cond3A_36 : i32
    scf.if %cond3A_37 {
      "tpu.region"() ({
        %run_scoped3A = tpu.sem_alloc : memref<!tpu.dma_semaphore, #tpu.memory_space<semaphore_mem>>
        %dma_start3A = arith.constant 0 : i32
        %dma_start3A_38 = arith.constant 0 : i32
        %dma_start3A_39 = tpu.memref_slice %arg5[%arg0, %dma_start3A, %dma_start3A_38] : memref<2x10000x128xf32, #tpu.memory_space<hbm>> -> memref<1x10000x128xf32, #tpu.memory_space<hbm>>
        %dma_start3A_40 = tpu.memref_squeeze %dma_start3A_39 : memref<1x10000x128xf32, #tpu.memory_space<hbm>> -> memref<10000x128xf32, #tpu.memory_space<hbm>>
        %dma_start3A_41 = arith.constant 9480 : i32
        %dma_start3A_42 = arith.constant 0 : i32
        %dma_start3A_43 = tpu.memref_slice %dma_start3A_40[%dma_start3A_41, %dma_start3A_42] : memref<10000x128xf32, #tpu.memory_space<hbm>> -> memref<520x128xf32, #tpu.memory_space<hbm>>
        %dma_start3A_44 = arith.constant 9480 : i32
        %dma_start3A_45 = arith.constant 0 : i32
        %dma_start3A_46 = tpu.memref_slice %arg6[%dma_start3A_44, %dma_start3A_45] : memref<10240x128xf32, #tpu.memory_space<vmem_shared>> -> memref<520x128xf32, #tpu.memory_space<vmem_shared>>
        tpu.enqueue_dma source(%dma_start3A_46 : memref<520x128xf32, #tpu.memory_space<vmem_shared>>) target(%dma_start3A_43 : memref<520x128xf32, #tpu.memory_space<hbm>>) target_semaphore(%run_scoped3A : memref<!tpu.dma_semaphore, #tpu.memory_space<semaphore_mem>>)
        %dma_wait3A = arith.constant 0 : i32
        %dma_wait3A_47 = arith.constant 0 : i32
        %dma_wait3A_48 = tpu.memref_slice %arg5[%arg0, %dma_wait3A, %dma_wait3A_47] : memref<2x10000x128xf32, #tpu.memory_space<hbm>> -> memref<1x10000x128xf32, #tpu.memory_space<hbm>>
        %dma_wait3A_49 = tpu.memref_squeeze %dma_wait3A_48 : memref<1x10000x128xf32, #tpu.memory_space<hbm>> -> memref<10000x128xf32, #tpu.memory_space<hbm>>
        %dma_wait3A_50 = arith.constant 9480 : i32
        %dma_wait3A_51 = arith.constant 0 : i32
        %dma_wait3A_52 = tpu.memref_slice %dma_wait3A_49[%dma_wait3A_50, %dma_wait3A_51] : memref<10000x128xf32, #tpu.memory_space<hbm>> -> memref<520x128xf32, #tpu.memory_space<hbm>>
        %dma_wait3A_53 = arith.constant 9480 : i32
        %dma_wait3A_54 = arith.constant 0 : i32
        %dma_wait3A_55 = tpu.memref_slice %arg6[%dma_wait3A_53, %dma_wait3A_54] : memref<10240x128xf32, #tpu.memory_space<vmem_shared>> -> memref<520x128xf32, #tpu.memory_space<vmem_shared>>
        tpu.wait_dma2 semaphore(%run_scoped3A : memref<!tpu.dma_semaphore, #tpu.memory_space<semaphore_mem>>) src(%dma_wait3A_55 : memref<520x128xf32, #tpu.memory_space<vmem_shared>>) dst(%dma_wait3A_52 : memref<520x128xf32, #tpu.memory_space<hbm>>)
        tpu.yield
      }) : () -> ()
    } else {
    }
    return
  }
}

module attributes {stable_mosaic.version = 14 : i64} {
  func.func @_tc_body(%arg0: i32, %arg1: memref<1000x128xf32, #tpu.memory_space<vmem>>, %arg2: memref<2x1000x128xf32, #tpu.memory_space<vmem>>, %arg3: memref<1x1x1000xi32, #tpu.memory_space<vmem>>, %arg4: memref<128x640xf32, #tpu.memory_space<vmem>>, %arg5: memref<128x128xf32, #tpu.memory_space<vmem>>, %arg6: memref<1x128xf32, #tpu.memory_space<vmem>>, %arg7: memref<512x128xf32, #tpu.memory_space<vmem>>, %arg8: memref<256x128xf32, #tpu.memory_space<vmem>>, %arg9: memref<256x128xf32, #tpu.memory_space<vmem>>, %arg10: memref<256x640xf32, #tpu.memory_space<vmem>>) attributes {dimension_semantics = [#tpu.dimension_semantics<arbitrary>], iteration_bounds = array<i64: 10>, scalar_prefetch = 0 : i64, scratch_operands = 1 : i64, tpu.core_type = #tpu.core_type<tc>, window_params = [{transform_indices = @transform_0, window_bounds = array<i64: 1000, 128>}, {transform_indices = @transform_1, window_bounds = array<i64: 2, 1000, 128>}, {transform_indices = @transform_2, window_bounds = array<i64: 1, 1, 1000>}, {pipeline_mode = #tpu.pipeline_mode<synchronous>, transform_indices = @transform_3, window_bounds = array<i64: 128, 640>}, {pipeline_mode = #tpu.pipeline_mode<synchronous>, transform_indices = @transform_4, window_bounds = array<i64: 128, 128>}, {pipeline_mode = #tpu.pipeline_mode<synchronous>, transform_indices = @transform_5, window_bounds = array<i64: 1, 128>}, {pipeline_mode = #tpu.pipeline_mode<synchronous>, transform_indices = @transform_6, window_bounds = array<i64: 512, 128>}, {pipeline_mode = #tpu.pipeline_mode<synchronous>, transform_indices = @transform_7, window_bounds = array<i64: 256, 128>}, {pipeline_mode = #tpu.pipeline_mode<synchronous>, transform_indices = @transform_8, window_bounds = array<i64: 256, 128>}]} {
    %get3A = arith.constant 0 : index
    %get3A_0 = arith.constant 0 : index
    %get3A_1 = vector.load %arg1[%get3A, %get3A_0] : memref<1000x128xf32, #tpu.memory_space<vmem>>, vector<1000x128xf32>
    %get3A_2 = arith.constant 0 : index
    %get3A_3 = arith.constant 0 : index
    %get3A_4 = arith.constant 0 : index
    %get3A_5 = vector.load %arg2[%get3A_2, %get3A_3, %get3A_4] : memref<2x1000x128xf32, #tpu.memory_space<vmem>>, vector<1x1000x128xf32>
    %get3A_6 = vector.shape_cast %get3A_5 : vector<1x1000x128xf32> to vector<1000x128xf32>
    %add3A = arith.addf %get3A_1, %get3A_6 : vector<1000x128xf32>
    %get3A_7 = arith.constant 1 : index
    %get3A_8 = arith.constant 0 : index
    %get3A_9 = arith.constant 0 : index
    %get3A_10 = vector.load %arg2[%get3A_7, %get3A_8, %get3A_9] : memref<2x1000x128xf32, #tpu.memory_space<vmem>>, vector<1x1000x128xf32>
    %get3A_11 = vector.shape_cast %get3A_10 : vector<1x1000x128xf32> to vector<1000x128xf32>
    %add3A_12 = arith.addf %add3A, %get3A_11 : vector<1000x128xf32>
    %convert_element_type3A = arith.truncf %add3A_12 : vector<1000x128xf32> to vector<1000x128xbf16>
    %get3A_13 = arith.constant 0 : index
    %get3A_14 = arith.constant 0 : index
    %get3A_15 = vector.load %arg4[%get3A_13, %get3A_14] : memref<128x640xf32, #tpu.memory_space<vmem>>, vector<128x640xf32>
    %convert_element_type3A_16 = arith.truncf %get3A_15 : vector<128x640xf32> to vector<128x640xbf16>
    %dot_general3A = arith.constant dense<0.000000e+00> : vector<1000x640xf32>
    %dot_general3A_17 = tpu.matmul %convert_element_type3A, %convert_element_type3A_16, %dot_general3A {dimension_numbers = #tpu.dot_dimension_numbers<[1], [0], [0], [1], [0, 0, 1, 1], [], []>, transpose_lhs_hint = false} : vector<1000x128xbf16>, vector<128x640xbf16>, vector<1000x640xf32> -> vector<1000x640xf32>
    %max3A = arith.constant 0.000000e+00 : f32
    %max3A_18 = vector.broadcast %max3A : f32 to vector<1000x640xf32>
    %max3A_19 = arith.maximumf %dot_general3A_17, %max3A_18 : vector<1000x640xf32>
    %get3A_20 = arith.constant 0 : index
    %get3A_21 = arith.constant 0 : index
    %get3A_22 = arith.constant 0 : index
    %get3A_23 = vector.load %arg3[%get3A_20, %get3A_21, %get3A_22] : memref<1x1x1000xi32, #tpu.memory_space<vmem>>, vector<1x1x1000xi32>
    %get3A_24 = vector.shape_cast %get3A_23 : vector<1x1x1000xi32> to vector<1x1000xi32>
    %iota3A = tpu.iota {dimensions = array<i32: 0>} : vector<256x1000xi32>
    %eq3A = vector.broadcast %get3A_24 : vector<1x1000xi32> to vector<256x1000xi32>
    %eq3A_25 = arith.cmpi eq, %iota3A, %eq3A : vector<256x1000xi32>
    %convert_element_type3A_26 = arith.extui %eq3A_25 : vector<256x1000xi1> to vector<256x1000xi32>
    %convert_element_type3A_27 = arith.sitofp %convert_element_type3A_26 : vector<256x1000xi32> to vector<256x1000xf32>
    %dot_general3A_28 = arith.constant dense<0.000000e+00> : vector<256x640xf32>
    %dot_general3A_29 = tpu.matmul %convert_element_type3A_27, %max3A_19, %dot_general3A_28 {dimension_numbers = #tpu.dot_dimension_numbers<[1], [0], [0], [1], [0, 0, 1, 1], [], []>, precision = #tpu.contract_precision<fp32>, transpose_lhs_hint = false} : vector<256x1000xf32>, vector<1000x640xf32>, vector<256x640xf32> -> vector<256x640xf32>
    %eq3A_30 = arith.constant 0 : i32
    %eq3A_31 = arith.cmpi eq, %arg0, %eq3A_30 : i32
    %convert_element_type3A_32 = arith.extui %eq3A_31 : i1 to i32
    %cond3A = arith.constant 0 : i32
    %cond3A_33 = arith.cmpi ne, %convert_element_type3A_32, %cond3A : i32
    scf.if %cond3A_33 {
      %swap3A = arith.constant 0 : index
      %swap3A_43 = arith.constant 0 : index
      %swap3A_44 = vector.load %arg10[%swap3A, %swap3A_43] : memref<256x640xf32, #tpu.memory_space<vmem>>, vector<256x640xf32>
      tpu.vector_store %arg10[%swap3A, %swap3A_43], %dot_general3A_29 {strides = array<i32>} : memref<256x640xf32, #tpu.memory_space<vmem>>, vector<256x640xf32>,
    } else {
    }
    %gt3A = arith.constant 0 : i32
    %gt3A_34 = arith.cmpi sgt, %arg0, %gt3A : i32
    %convert_element_type3A_35 = arith.extui %gt3A_34 : i1 to i32
    %cond3A_36 = arith.constant 0 : i32
    %cond3A_37 = arith.cmpi ne, %convert_element_type3A_35, %cond3A_36 : i32
    scf.if %cond3A_37 {
      %get3A_43 = arith.constant 0 : index
      %get3A_44 = arith.constant 0 : index
      %get3A_45 = vector.load %arg10[%get3A_43, %get3A_44] : memref<256x640xf32, #tpu.memory_space<vmem>>, vector<256x640xf32>
      %add3A_46 = arith.addf %get3A_45, %dot_general3A_29 : vector<256x640xf32>
      %swap3A = arith.constant 0 : index
      %swap3A_47 = arith.constant 0 : index
      %swap3A_48 = vector.load %arg10[%swap3A, %swap3A_47] : memref<256x640xf32, #tpu.memory_space<vmem>>, vector<256x640xf32>
      tpu.vector_store %arg10[%swap3A, %swap3A_47], %add3A_46 {strides = array<i32>} : memref<256x640xf32, #tpu.memory_space<vmem>>, vector<256x640xf32>,
    } else {
    }
    %eq3A_38 = arith.constant 9 : i32
    %eq3A_39 = arith.cmpi eq, %arg0, %eq3A_38 : i32
    %convert_element_type3A_40 = arith.extui %eq3A_39 : i1 to i32
    %cond3A_41 = arith.constant 0 : i32
    %cond3A_42 = arith.cmpi ne, %convert_element_type3A_40, %cond3A_41 : i32
    scf.if %cond3A_42 {
      %get3A_43 = arith.constant 0 : index
      %get3A_44 = arith.constant 0 : index
      %get3A_45 = vector.load %arg10[%get3A_43, %get3A_44] : memref<256x640xf32, #tpu.memory_space<vmem>>, vector<256x640xf32>
      %slice3A = vector.extract_strided_slice %get3A_45 {offsets = [0, 0], sizes = [256, 128], strides = [1, 1]} : vector<256x640xf32> to vector<256x128xf32>
      %slice3A_46 = vector.extract_strided_slice %get3A_45 {offsets = [0, 128], sizes = [256, 512], strides = [1, 1]} : vector<256x640xf32> to vector<256x512xf32>
      %convert_element_type3A_47 = arith.truncf %slice3A : vector<256x128xf32> to vector<256x128xbf16>
      %get3A_48 = arith.constant 0 : index
      %get3A_49 = arith.constant 0 : index
      %get3A_50 = vector.load %arg5[%get3A_48, %get3A_49] : memref<128x128xf32, #tpu.memory_space<vmem>>, vector<128x128xf32>
      %convert_element_type3A_51 = arith.truncf %get3A_50 : vector<128x128xf32> to vector<128x128xbf16>
      %dot_general3A_52 = arith.constant dense<0.000000e+00> : vector<256x128xf32>
      %dot_general3A_53 = tpu.matmul %convert_element_type3A_47, %convert_element_type3A_51, %dot_general3A_52 {dimension_numbers = #tpu.dot_dimension_numbers<[1], [0], [0], [1], [0, 0, 1, 1], [], []>, transpose_lhs_hint = false} : vector<256x128xbf16>, vector<128x128xbf16>, vector<256x128xf32> -> vector<256x128xf32>
      %get3A_54 = arith.constant 0 : index
      %get3A_55 = arith.constant 0 : index
      %get3A_56 = vector.load %arg6[%get3A_54, %get3A_55] : memref<1x128xf32, #tpu.memory_space<vmem>>, vector<1x128xf32>
      %add3A_57 = vector.broadcast %get3A_56 : vector<1x128xf32> to vector<256x128xf32>
      %add3A_58 = arith.addf %dot_general3A_53, %add3A_57 : vector<256x128xf32>
      %reduce_max3A = arith.constant dense<0xFF800000> : vector<256xf32>
      %reduce_max3A_59 = vector.multi_reduction <maximumf>, %add3A_58, %reduce_max3A [1] : vector<256x128xf32> to vector<256xf32>
      %broadcast_in_dim3A = vector.shape_cast %reduce_max3A_59 : vector<256xf32> to vector<256x1xf32>
      %sub3A = vector.broadcast %broadcast_in_dim3A : vector<256x1xf32> to vector<256x128xf32>
      %sub3A_60 = arith.subf %add3A_58, %sub3A : vector<256x128xf32>
      %exp3A = math.exp %sub3A_60 : vector<256x128xf32>
      %reduce_sum3A = arith.constant dense<0.000000e+00> : vector<256xf32>
      %reduce_sum3A_61 = vector.multi_reduction <add>, %exp3A, %reduce_sum3A [1] : vector<256x128xf32> to vector<256xf32>
      %broadcast_in_dim3A_62 = vector.shape_cast %reduce_sum3A_61 : vector<256xf32> to vector<256x1xf32>
      %div3A = vector.broadcast %broadcast_in_dim3A_62 : vector<256x1xf32> to vector<256x128xf32>
      %div3A_63 = arith.divf %exp3A, %div3A : vector<256x128xf32>
      %swap3A = arith.constant 0 : index
      %swap3A_64 = arith.constant 0 : index
      %swap3A_65 = vector.load %arg8[%swap3A, %swap3A_64] : memref<256x128xf32, #tpu.memory_space<vmem>>, vector<256x128xf32>
      tpu.vector_store %arg8[%swap3A, %swap3A_64], %div3A_63 {strides = array<i32>} : memref<256x128xf32, #tpu.memory_space<vmem>>, vector<256x128xf32>,
      %convert_element_type3A_66 = arith.truncf %slice3A_46 : vector<256x512xf32> to vector<256x512xbf16>
      %get3A_67 = arith.constant 0 : index
      %get3A_68 = arith.constant 0 : index
      %get3A_69 = vector.load %arg7[%get3A_67, %get3A_68] : memref<512x128xf32, #tpu.memory_space<vmem>>, vector<512x128xf32>
      %convert_element_type3A_70 = arith.truncf %get3A_69 : vector<512x128xf32> to vector<512x128xbf16>
      %dot_general3A_71 = arith.constant dense<0.000000e+00> : vector<256x128xf32>
      %dot_general3A_72 = tpu.matmul %convert_element_type3A_66, %convert_element_type3A_70, %dot_general3A_71 {dimension_numbers = #tpu.dot_dimension_numbers<[1], [0], [0], [1], [0, 0, 1, 1], [], []>, transpose_lhs_hint = false} : vector<256x512xbf16>, vector<512x128xbf16>, vector<256x128xf32> -> vector<256x128xf32>
      %iota3A_73 = tpu.iota {dimensions = array<i32: 1>} : vector<256x128xi32>
      %reduce_max3A_74 = arith.constant dense<0xFF800000> : vector<256xf32>
      %reduce_max3A_75 = vector.multi_reduction <maximumf>, %div3A_63, %reduce_max3A_74 [1] : vector<256x128xf32> to vector<256xf32>
      %broadcast_in_dim3A_76 = vector.shape_cast %reduce_max3A_75 : vector<256xf32> to vector<256x1xf32>
      %eq3A_77 = vector.broadcast %broadcast_in_dim3A_76 : vector<256x1xf32> to vector<256x128xf32>
      %eq3A_78 = arith.cmpf oeq, %div3A_63, %eq3A_77 : vector<256x128xf32>
      %jit3A = arith.constant 128 : i32
      %broadcast_in_dim3A_79 = vector.broadcast %jit3A : i32 to vector<256x128xi32>
      %select_n3A = arith.select %eq3A_78, %iota3A_73, %broadcast_in_dim3A_79 : vector<256x128xi1>, vector<256x128xi32>
      %reduce_min3A = arith.constant dense<2147483647> : vector<256xi32>
      %reduce_min3A_80 = vector.multi_reduction <minsi>, %select_n3A, %reduce_min3A [1] : vector<256x128xi32> to vector<256xi32>
      %broadcast_in_dim3A_81 = vector.shape_cast %reduce_min3A_80 : vector<256xi32> to vector<256x1xi32>
      %eq3A_82 = vector.broadcast %broadcast_in_dim3A_81 : vector<256x1xi32> to vector<256x128xi32>
      %eq3A_83 = arith.cmpi eq, %iota3A_73, %eq3A_82 : vector<256x128xi32>
      %jit3A_84 = arith.constant -1.000000e+00 : f32
      %broadcast_in_dim3A_85 = vector.broadcast %jit3A_84 : f32 to vector<256x128xf32>
      %select_n3A_86 = arith.select %eq3A_83, %broadcast_in_dim3A_85, %div3A_63 : vector<256x128xi1>, vector<256x128xf32>
      %reduce_max3A_87 = arith.constant dense<0xFF800000> : vector<256xf32>
      %reduce_max3A_88 = vector.multi_reduction <maximumf>, %select_n3A_86, %reduce_max3A_87 [1] : vector<256x128xf32> to vector<256xf32>
      %broadcast_in_dim3A_89 = vector.shape_cast %reduce_max3A_88 : vector<256xf32> to vector<256x1xf32>
      %eq3A_90 = vector.broadcast %broadcast_in_dim3A_89 : vector<256x1xf32> to vector<256x128xf32>
      %eq3A_91 = arith.cmpf oeq, %select_n3A_86, %eq3A_90 : vector<256x128xf32>
      %jit3A_92 = arith.constant 128 : i32
      %broadcast_in_dim3A_93 = vector.broadcast %jit3A_92 : i32 to vector<256x128xi32>
      %select_n3A_94 = arith.select %eq3A_91, %iota3A_73, %broadcast_in_dim3A_93 : vector<256x128xi1>, vector<256x128xi32>
      %reduce_min3A_95 = arith.constant dense<2147483647> : vector<256xi32>
      %reduce_min3A_96 = vector.multi_reduction <minsi>, %select_n3A_94, %reduce_min3A_95 [1] : vector<256x128xi32> to vector<256xi32>
      %broadcast_in_dim3A_97 = vector.shape_cast %reduce_min3A_96 : vector<256xi32> to vector<256x1xi32>
      %eq3A_98 = vector.broadcast %broadcast_in_dim3A_81 : vector<256x1xi32> to vector<256x128xi32>
      %eq3A_99 = arith.cmpi eq, %iota3A_73, %eq3A_98 : vector<256x128xi32>
      %jit3A_100 = arith.constant 0.000000e+00 : f32
      %broadcast_in_dim3A_101 = vector.broadcast %jit3A_100 : f32 to vector<256x128xf32>
      %select_n3A_102 = arith.select %eq3A_99, %dot_general3A_72, %broadcast_in_dim3A_101 : vector<256x128xi1>, vector<256x128xf32>
      %reduce_sum3A_103 = arith.constant dense<0.000000e+00> : vector<256xf32>
      %reduce_sum3A_104 = vector.multi_reduction <add>, %select_n3A_102, %reduce_sum3A_103 [1] : vector<256x128xf32> to vector<256xf32>
      %broadcast_in_dim3A_105 = vector.shape_cast %reduce_sum3A_104 : vector<256xf32> to vector<256x1xf32>
      %eq3A_106 = vector.broadcast %broadcast_in_dim3A_97 : vector<256x1xi32> to vector<256x128xi32>
      %eq3A_107 = arith.cmpi eq, %iota3A_73, %eq3A_106 : vector<256x128xi32>
      %jit3A_108 = arith.constant 0.000000e+00 : f32
      %broadcast_in_dim3A_109 = vector.broadcast %jit3A_108 : f32 to vector<256x128xf32>
      %select_n3A_110 = arith.select %eq3A_107, %dot_general3A_72, %broadcast_in_dim3A_109 : vector<256x128xi1>, vector<256x128xf32>
      %reduce_sum3A_111 = arith.constant dense<0.000000e+00> : vector<256xf32>
      %reduce_sum3A_112 = vector.multi_reduction <add>, %select_n3A_110, %reduce_sum3A_111 [1] : vector<256x128xf32> to vector<256xf32>
      %broadcast_in_dim3A_113 = vector.shape_cast %reduce_sum3A_112 : vector<256xf32> to vector<256x1xf32>
      %sub3A_114 = arith.subf %broadcast_in_dim3A_89, %broadcast_in_dim3A_76 : vector<256x1xf32>
      %exp3A_115 = math.exp %sub3A_114 : vector<256x1xf32>
      %add3A_116 = arith.constant 1.000000e+00 : f32
      %add3A_117 = vector.broadcast %add3A_116 : f32 to vector<256x1xf32>
      %add3A_118 = arith.addf %add3A_117, %exp3A_115 : vector<256x1xf32>
      %mul3A = arith.mulf %broadcast_in_dim3A_113, %exp3A_115 : vector<256x1xf32>
      %add3A_119 = arith.addf %broadcast_in_dim3A_105, %mul3A : vector<256x1xf32>
      %div3A_120 = arith.divf %add3A_119, %add3A_118 : vector<256x1xf32>
      %broadcast_in_dim3A_121 = vector.shape_cast %div3A_120 : vector<256x1xf32> to vector<256x1xf32>
      %broadcast_in_dim3A_122 = vector.broadcast %broadcast_in_dim3A_121 : vector<256x1xf32> to vector<256x128xf32>
      %swap3A_123 = arith.constant 0 : index
      %swap3A_124 = arith.constant 0 : index
      %swap3A_125 = vector.load %arg9[%swap3A_123, %swap3A_124] : memref<256x128xf32, #tpu.memory_space<vmem>>, vector<256x128xf32>
      tpu.vector_store %arg9[%swap3A_123, %swap3A_124], %broadcast_in_dim3A_122 {strides = array<i32>} : memref<256x128xf32, #tpu.memory_space<vmem>>, vector<256x128xf32>,
    } else {
    }
    return
  }
  func.func @transform_0(%arg0: i32) -> (i32, i32) {
    %c0_i32 = arith.constant 0 : i32
    %c0_i32_0 = arith.constant 0 : i32
    return %arg0, %c0_i32 : i32, i32
  }
  func.func @transform_1(%arg0: i32) -> (i32, i32, i32) {
    %c0_i32 = arith.constant 0 : i32
    %c0_i32_0 = arith.constant 0 : i32
    %c0_i32_1 = arith.constant 0 : i32
    return %c0_i32, %arg0, %c0_i32_0 : i32, i32, i32
  }
  func.func @transform_2(%arg0: i32) -> (i32, i32, i32) {
    %c0_i32 = arith.constant 0 : i32
    %c0_i32_0 = arith.constant 0 : i32
    %c0_i32_1 = arith.constant 0 : i32
    return %arg0, %c0_i32, %c0_i32_0 : i32, i32, i32
  }
  func.func @transform_3(%arg0: i32) -> (i32, i32) {
    %c0_i32 = arith.constant 0 : i32
    %c0_i32_0 = arith.constant 0 : i32
    %c0_i32_1 = arith.constant 0 : i32
    return %c0_i32, %c0_i32_0 : i32, i32
  }
  func.func @transform_4(%arg0: i32) -> (i32, i32) {
    %c0_i32 = arith.constant 0 : i32
    %c0_i32_0 = arith.constant 0 : i32
    %c0_i32_1 = arith.constant 0 : i32
    return %c0_i32, %c0_i32_0 : i32, i32
  }
  func.func @transform_5(%arg0: i32) -> (i32, i32) {
    %c0_i32 = arith.constant 0 : i32
    %c0_i32_0 = arith.constant 0 : i32
    %c0_i32_1 = arith.constant 0 : i32
    return %c0_i32, %c0_i32_0 : i32, i32
  }
  func.func @transform_6(%arg0: i32) -> (i32, i32) {
    %c0_i32 = arith.constant 0 : i32
    %c0_i32_0 = arith.constant 0 : i32
    %c0_i32_1 = arith.constant 0 : i32
    return %c0_i32, %c0_i32_0 : i32, i32
  }
  func.func @transform_7(%arg0: i32) -> (i32, i32) {
    %c0_i32 = arith.constant 0 : i32
    %c0_i32_0 = arith.constant 0 : i32
    %c0_i32_1 = arith.constant 0 : i32
    return %c0_i32, %c0_i32_0 : i32, i32
  }
  func.func @transform_8(%arg0: i32) -> (i32, i32) {
    %c0_i32 = arith.constant 0 : i32
    %c0_i32_0 = arith.constant 0 : i32
    %c0_i32_1 = arith.constant 0 : i32
    return %c0_i32, %c0_i32_0 : i32, i32
  }
}

</mosaic_0001>

<sc_bundles>
// kernel: kernel.4.cloned.1.call-start
scs
__scs_entry_jumppad:
0x0: {  	(pc) =	sbr.rel $0x88, $3  }
0x1: {  	(tag) =	ssettag $0x0;
	lr =	simm.s32 $0x1  }
0x2: {  	[smem:$0x3F98] =	sst lr;
	_ =	strace $0xD0000000  }
0x3: {  	_ = 	snop  }
0x4: {  	_ = 	snop  }
0x5: {  	_ = 	snop  }
0x6: {  	_ = 	snop  }
0x7: {  	_ = 	snop  }
__scs_overlays_trampoline_lowered:
0x8: {  	[smem:$0x3FA7] =	sst s0  }
0x9: {  	[smem:$0x3FA8] =	sst s1  }
0xa: {  	[smem:$0x3FA9] =	sst s2  }
0xb: {  	[smem:$0x3FAA] =	sst s3  }
0xc: {  	[smem:$0x3FAB] =	sst s4  }
0xd: {  	[smem:$0x3FAC] =	sst s5  }
0xe: {  	[smem:$0x3FAD] =	sst s6  }
0xf: {  	[smem:$0x3FAE] =	sst s7  }
0x10: {  	[smem:$0x3FAF] =	sst s8  }
0x11: {  	[smem:$0x3FB0] =	sst s9;
	s0 =	simm.s32 @!p0 $0x0  }
0x12: {  	s1 =	sld [smem:$0x3F96];
	s0 =	simm.s32 @p0 $0x1  }
0x13: {  	[smem:$0x3FB1] =	sst s0;
	s0 =	simm.s32 @!p1 $0x0  }
0x14: {  	s2 =	sld [smem:$0x3F95];
	s0 =	simm.s32 @p1 $0x1  }
0x15: {  	[smem:$0x3FB2] =	sst s0;
	s0 =	simm.s32 @!p2 $0x0  }
0x16: {  	s3 =	sld [smem:$0x3FDB];
	s0 =	simm.s32 @p2 $0x1  }
0x17: {  	s4 =	simm.s32 $0x1BF5;
	[smem:$0x3FB4] =	sst s0  }
0x18: {  	s0 =	sld [smem:$0x3F97];
	_ =	swait.ge [sflag:s4], $0x0  }
0x19: {  	s7 =	sld [smem:$0x3F98]  }
0x1a: {  	s8 =	sadd.s32 $0xFFFFE003, lr  }
0x1b: {  	s9 =	sadd.s32 $0xFFFFFEF7, lr;
	s5 =	simm.s32 $0xFFFFFFFF;
	p2 =	slt.u32 s8, $0xFFFFF086  }
0x1c: {  	p1 =	slt.u32 s9, $0xF7A;
	s5 =	simm.s32 @!p2 $0x0  }
0x1d: {  	s5 =	simm.s32 @p1 $0x1;
	p0 =	seq.s32 s7, s2  }
0x1e: {  	s7 =	smul.u32 @!p0 $0xF7A, s2;
	p2 =	seq.s32 @!p0 s5, $0x0  }
0x1f: {  	s9 =	smul.u32 $0xF7A, s1;
	s8 =	simm.s32 @!p0 $0x1BF5;
	p2 =	por !p2, p0  }
0x20: {  	[sflag:s8] =	ssyncset.s32 @!p0 $0xFFFFF086;
	s6 =	sadd.s32 @!p0 s3, s7;
	s7 =	simm.s32 @!p0 $0x108  }
0x21: {  	s3 =	sadd.s32 s3, s9;
	s6 =	sadd.s32 @!p0 $0x88, s6;
	s7 =	simm.s32 @p2 $0x1082  }
0x22: {  	[simem:s7], [sflag:s8] =	dma.local @!p0 [hbm:s6], $0xF7A  }
0x23: {  	s9 =	sor.u32 $0xD0000000, s2;
	s6 =	simm.s32 $0x108;
	_ =	swait.ge @!p0 [sflag:s8], $0x0  }
0x24: {  	s3 =	sadd.s32 $0x88, s3;
	s6 =	simm.s32 @!p1 $0x1082;
	[sflag:s4] =	ssyncset.s32 $0xFFFFF086  }
0x25: {  	[simem:s6], [sflag:s4] =	dma.local [hbm:s3], $0xF7A  }
0x26: {  	[smem:$0x3F98] =	sst s1;
	(tag) =	ssettag s2;
	_ =	strace s9  }
0x27: {  	s1 =	sld [smem:$0x3FA8]  }
0x28: {  	s2 =	sld [smem:$0x3FA9]  }
0x29: {  	s4 =	sld [smem:$0x3FAB]  }
0x2a: {  	p0 =	seq.s32 s5, $0x0;
	s5 =	sld [smem:$0x3FAC]  }
0x2b: {  	s6 =	sld [smem:$0x3FAD]  }
0x2c: {  	s7 =	sld [smem:$0x3FAE]  }
0x2d: {  	s3 =	simm.s32 $0x108;
	s8 =	sld [smem:$0x3FAF]  }
0x2e: {  	s3 =	simm.s32 @!p0 $0x1082;
	s9 =	sld [smem:$0x3FB0]  }
0x2f: {  	lr =	sadd.s32 s0, s3;
	s0 =	sld [smem:$0x3FA7]  }
0x30: {  	s3 =	sld [smem:$0x3FAA]  }
0x31: {  	[smem:$0x3FB3] =	sst s10  }
0x32: {  	s10 =	sld [smem:$0x3FB1];
	_ =	sdelay $0x3  }
0x33: {  	p0 =	seq.s32 s10, $0x1;
	s10 =	sld [smem:$0x3FB3];
	_ =	sdelay $0x3  }
0x34: {  	[smem:$0x3FB3] =	sst s10  }
0x35: {  	s10 =	sld [smem:$0x3FB2];
	_ =	sdelay $0x3  }
0x36: {  	p1 =	seq.s32 s10, $0x1;
	s10 =	sld [smem:$0x3FB3];
	_ =	sdelay $0x3  }
0x37: {  	[smem:$0x3FB3] =	sst s10  }
0x38: {  	s10 =	sld [smem:$0x3FB4]  }
0x39: {  	_ = 	snop;
	(pc) =	sbr.ind lr, $3  }
0x3a: {  	_ = 	snop  }
0x3b: {  	_ = 	snop  }
0x3c: {  	p2 =	seq.s32 s10, $0x1;
	s10 =	sld [smem:$0x3FB3]  }
0x3d: {  	_ =	shalt  }
0x3e: {  	_ =	shalt  }
0x3f: {  	_ =	shalt  }
0x40: {  	_ =	shalt  }
0x41: {  	_ =	shalt  }
0x42: {  	_ =	shalt  }
0x43: {  	_ =	shalt  }
0x44: {  	_ =	shalt  }
0x45: {  	_ =	shalt  }
0x46: {  	_ =	shalt  }
0x47: {  	_ =	shalt  }
0x48: {  	_ =	shalt  }
0x49: {  	_ =	shalt  }
0x4a: {  	_ =	shalt  }
0x4b: {  	_ =	shalt  }
0x4c: {  	_ =	shalt  }
0x4d: {  	_ =	shalt  }
0x4e: {  	_ =	shalt  }
0x4f: {  	_ =	shalt  }
0x50: {  	_ =	shalt  }
0x51: {  	_ =	shalt  }
0x52: {  	_ =	shalt  }
0x53: {  	_ =	shalt  }
0x54: {  	_ =	shalt  }
0x55: {  	_ =	shalt  }
0x56: {  	_ =	shalt  }
0x57: {  	_ =	shalt  }
0x58: {  	_ =	shalt  }
0x59: {  	_ =	shalt  }
0x5a: {  	_ =	shalt  }
0x5b: {  	_ =	shalt  }
0x5c: {  	_ =	shalt  }
0x5d: {  	_ =	shalt  }
0x5e: {  	_ =	shalt  }
0x5f: {  	_ =	shalt  }
0x60: {  	_ =	shalt  }
0x61: {  	_ =	shalt  }
0x62: {  	_ =	shalt  }
0x63: {  	_ =	shalt  }
0x64: {  	_ =	shalt  }
0x65: {  	_ =	shalt  }
0x66: {  	_ =	shalt  }
0x67: {  	_ =	shalt  }
0x68: {  	_ =	shalt  }
0x69: {  	_ =	shalt  }
0x6a: {  	_ =	shalt  }
0x6b: {  	_ =	shalt  }
0x6c: {  	_ =	shalt  }
0x6d: {  	_ =	shalt  }
0x6e: {  	_ =	shalt  }
0x6f: {  	_ =	shalt  }
0x70: {  	_ =	shalt  }
0x71: {  	_ =	shalt  }
0x72: {  	_ =	shalt  }
0x73: {  	_ =	shalt  }
0x74: {  	_ =	shalt  }
0x75: {  	_ =	shalt  }
0x76: {  	_ =	shalt  }
0x77: {  	_ =	shalt  }
0x78: {  	_ =	shalt  }
0x79: {  	_ =	shalt  }
0x7a: {  	_ =	shalt  }
0x7b: {  	_ =	shalt  }
0x7c: {  	_ =	shalt  }
0x7d: {  	_ =	shalt  }
0x7e: {  	_ =	shalt  }
0x7f: {  	_ =	shalt  }
0x80: {  	_ =	shalt  }
0x81: {  	_ =	shalt  }
0x82: {  	_ =	shalt  }
0x83: {  	_ =	shalt  }
0x84: {  	_ =	shalt  }
0x85: {  	_ =	shalt  }
0x86: {  	_ =	shalt  }
0x87: {  	_ =	shalt  }
.Lfunc_end0:
.L_simem_size_0:
called_computation_lowered:
.L_overlay_start_0:
0x88: {  	s2 =	sld [smem:$0x3FD9]  }
0x89: {  	s3 =	sld [smem:$0x3FFE];
	_ =	sdelay $0x1  }
0x8a: {  	s1 =	srdreg.scid  }
0x8b: {  	s0 =	sand.u32 $0x1, s1  }
0x8c: {  	s17 =	sshll.u32 s0, $0xA;
	s2 =	sadd.s32 s3, s2  }
0x8d: {  	s2 =	sadd.s32 s2, s17  }
0x8e: {  	[smem:$0x3FBF] =	sst s2  }
0x8f: {  	_ = 	snop  }
0x90: {  	s2 =	sld [smem:$0x3FC9];
	(tm) =	ssettm $0x1  }
0x91: {  	s18 =	sld [smem:$0x3FFB];
	_ =	sdelay $0x3  }
0x92: {  	_ =	strace s18  }
0x93: {  	s3 =	sld [smem:$0x3FFC];
	_ =	sdelay $0x3  }
0x94: {  	_ =	strace s3  }
0x95: {  	s3 =	sld [smem:$0x3FFD];
	_ =	sdelay $0x3  }
0x96: {  	_ =	strace s3  }
0x97: {  	_ =	strace $0x8FFFFFFF  }
0x98: {  	s19 =	sld [smem:$0x3FDB];
	_ =	sdelay $0x1  }
0x99: {  	s4 =	simm.s32 $_scs_section_size  }
0x9a: {  	s5 =	simm.s32 $_size__tile_overlayer_lowered;
	s6 =	simm.s32 $_tile_overlayer_lowered  }
0x9b: {  	s22 =	simm.s32 $0x1BFF;
	s21 =	sshll.u32 s6, $0x1;
	s3 =	sadd.s32 s4, s19  }
0x9c: {  	s7 =	simm.s32 $0x0;
	s20 =	sshll.u32 s5, $0x1;
	s5 =	sadd.s32 s21, s3  }
0x9d: {  	[timem:s7], [sflag:s22] =	dma.local [hbm:s5], s20  }
0x9e: {  	_ =	swait.ge [sflag:s22], s20  }
0x9f: {  	s4 =	ssub.s32 $0x0, s20;
	[sflag:s22] =	ssyncset.done $0x0  }
0xa0: {  	[sflag:s22] =	ssyncadd.s32 s4;
	_ =	sdelay $0x1  }
0xa1: {  	s23 =	simm.s32 $0x1B8B  }
0xa2: {  	_ =	swait.ge [sflag:s23], $0x1  }
0xa3: {  	[sflag:s23] =	ssyncset.done $0x0  }
0xa4: {  	s25 =	simm.s32 $0x1B8E;
	s24 =	sld [smem:$0x3FFE];
	[sflag:s23] =	ssyncadd.s32 $0xFFFFFFFF  }
0xa5: {  	s26 =	simm.s32 $execute0_lowered;
	[smem:$0x3FD2] =	sst s25  }
0xa6: {  	s5 =	sshll.u32 s26, $0x1;
	_ =	strace $0x80000046;
	[dreg:$0x1] =	wrdreg $0xFFFFFFFF  }
0xa7: {  	s28 =	simm.s32 $_size_execute0_lowered;
	s3 =	sadd.s32 s3, s5;
	[dreg:$0x0] =	wrdreg $0x0  }
0xa8: {  	s5 =	sshll.u32 s28, $0x1;
	[dreg:$0x2] =	wrdreg s3  }
0xa9: {  	[dreg:$0x3] =	wrdreg s5  }
0xaa: {  	[dreg:$0x4] =	wrdreg $0xC0  }
0xab: {  	_ =	task [dreg:s7], $0x5FFFF  }
0xac: {  	[dreg:$0x1] =	wrdreg $0xFFFFFFFF  }
0xad: {  	[dreg:$0x0] =	wrdreg $0x60  }
0xae: {  	[dreg:$0x2] =	wrdreg s2  }
0xaf: {  	[dreg:$0x3] =	wrdreg s24  }
0xb0: {  	[dreg:$0x4] =	wrdreg $0x0  }
0xb1: {  	[dreg:$0x5] =	wrdreg $0x9  }
0xb2: {  	_ =	task.clear_ibuf [dreg:s7], $0x6FFFF;
	_ =	strace $0x90000046  }
0xb3: {  	s29 =	simm.s32 $0x9;
	_ =	strace $0x80000048  }
0xb4: {  	_ =	swait.ge [sflag:s29], $0x1  }
0xb5: {  	[sflag:s29] =	ssyncadd.s32 $0xFFFFFFFF  }
0xb6: {  	_ =	strace $0x90000048  }
0xb7: {  	_ =	sfence  }
0xb8: {  	s30 =	sld [smem:$0x0];
	_ =	sdelay $0x2  }
0xb9: {  	s31 =	sshll.u32 s1, $0xD;
	s1 =	sshrl.u32 s1, $0x2  }
0xba: {  	s3 =	sand.u32 $0x4000, s31;
	s1 =	sadd.s32 s1, s30  }
0xbb: {  	s0 =	sor.u32 s3, s0;
	s1 =	sshll.u32 s1, $0x11  }
0xbc: {  	s0 =	sor.u32 s1, s0  }
0xbd: {  	s0 =	sadd.s32 $0x8F2B, s0  }
0xbe: {  	[sflag:s0] =	ssyncadd.remote.s32 $0x1  }
0xbf: {  	_ =	sfence.sel $0xFFFF  }
0xc0: {  	[dreg:$0x0] =	wrdreg $0xFFFFFFFF;
	(pc) =	sbr.abs _section_cstart, $3  }
0xc1: {  	[dreg:$0x1] =	wrdreg $0xFFFFFFFF  }
0xc2: {  	_ =	task.clear_ibuf [dreg:s7], $0x2FFFF;
	_ =	strace $0x9FFFFFFF  }
0xc3: {  	(tm) =	ssettm $0x7FFFFFFF  }
tec
execute0_lowered:
.L_overlay_start_1:
0x0: {  	(tag) =	ssettag $0x1  }
0x1: {  	s1 =	rddreg [dreg:$0x0]  }
0x2: {  	s9 =	rddreg [dreg:$0x1]  }
0x3: {  	s11 =	rddreg [dreg:$0x2]  }
0x4: {  	s0 =	rddreg [dreg:$0x3];
	s3 =	simm.s32 $0x0;
	s2 =	stileid.u32  }
0x5: {  	s4 =	srdreg.scid;
	s20 =	simm.s32 $0x15400;
	s5 =	smul.u32 $0x50000, s2  }
0x6: {  	s21 =	simm.s32 $0x80;
	s22 =	simm.s32 $0x1A800;
	s8 =	smul.u32 $0x5000, s2  }
0x7: {  	s23 =	simm.s32 $0x1;
	s24 =	simm.s32 $0x2;
	s15 =	smul.u32 $0x4F000, s2  }
0x8: {  	[smem:$0x7FF] =	sst s3;
	s12 =	sand.u32 $0x1, s4;
	s17 =	smul.u32 $0x2780, s2  }
0x9: {  	p1 =	seq.s32 s2, $0xF;
	_ =	strace $0x80000047;
	s6 =	smul.u32 $0x27100, s12  }
0xa: {  	s7 =	ssub.s32 $0x2, s12;
	p0 =	seq.s32 s12, $0x0;
	s12 =	simm.s32 $0x16800  }
0xb: {  	s19 =	sshll.u32 @!p1 s2, $0x6;
	s30 =	sshrl.u32 s5, $0x2;
	s31 =	sshrl.u32 s7, $0x1  }
0xc: {  	s10 =	sshrl.u32 s8, $0x3;
	s15 =	sshrl.u32 s15, $0x2;
	s4 =	sadd.s32 s30, s11  }
0xd: {  	s13 =	sadd.s32 s6, s9;
	s14 =	ssub.s32 s7, s31;
	s10 =	sadd.s32 s9, s10  }
0xe: {  	s18 =	sadd.s32 s15, s11;
	s15 =	sadd.s32 $0x128400, s11;
	s5 =	sadd.s32 $0x4000, s4  }
.Ltmp0:
0xf: {  	s6 =	sadd.s32 $0x8000, s4;
	s7 =	sadd.s32 $0xC000, s4;
	(pc) =	sbr.rel .LBB2_1-.Ltmp0, $4  }
0x10: {  	s8 =	sadd.s32 $0x10000, s4;
	s9 =	sadd.s32 $0xBF00, s10;
	s10 =	sadd.s32 $0x1F00, s10  }
0x11: {  	s16 =	sadd.s32 $0x15A00, s13;
	s11 =	smax.u32 s14, $0x1;
	s13 =	simm.s32 $0x3  }
0x12: {  	s15 =	sshrl.u32 @p1 s15, $0x3;
	s18 =	sshrl.u32 @!p1 s18, $0x3;
	s14 =	sadd.s32 @p1 $0x25080, s16  }
0x13: {  	v0 =	vimm.f32 $0.0e+00;
	s16 =	sadd.s32 @!p1 s17, s16;
	s17 =	sor.u32 @!p1 $0x1C03, s19;
	s19 =	simm.s32 $0x14000  }
.LBB2_8:
0x14: {  	s26 =	sadd.s32 $0x14000, s25;
	[sflag:s24] =	ssyncadd.s32 $0xFFFFC000  }
0x15: {  	[tilespmem:s12], [sflag:$0x1] =	stream.indirect.gather [hbm4b:s1+s21], $0x80, s26, s21, $0xb8;
	[tilespmem:$0x1E800] =	vst v63  }
0x16: {  	s31 =	sadd.s32 $0x14080, s25  }
0x17: {  	[tilespmem:s22], [sflag:$0x2] =	stream.indirect.gather [hbm4b:s1+s21], $0x80, s31, s21, $0xb8;
	[tilespmem:$0x1E800] =	vst v63  }
0x18: {  	_ =	swait.ge [sflag:s23], $0x4000  }
0x19: {  	[sflag:s23] =	ssyncset.done $0x0  }
0x1a: {  	[sflag:s23] =	ssyncadd.s32 $0xFFFFC000  }
0x1b: {  	_ =	swait.ge [sflag:s24], $0x4000  }
0x1c: {  	[sflag:s24] =	ssyncset.done $0x0  }
0x1d: {  	[sflag:s24] =	ssyncadd.s32 $0xFFFFC000  }
.LBB2_9:
0x1e: {  	[bflag:$0x0] =	sbarrier.arrive $0xFFFF;
	s25 =	simm.s32 @p1 $0x1FC3  }
0x1f: {  	[hbm:s14], [sflag:s25] =	dma.local @p1 [spmem:s15], $0x2080  }
0x20: {  	s25 =	simm.s32 @p1 $0x3  }
0x21: {  	s3 =	sadd.s32 $0x1, s3;
	_ =	swait.ge @p1 [sflag:s25], $0x2080  }
0x22: {  	p2 =	sne.s32 s3, s11;
	[sflag:s25] =	ssyncset.done @p1 $0x0  }
.Ltmp1:
0x23: {  	[sflag:s25] =	ssyncadd.s32 @p1 $0xFFFFDF80;
	s25 =	simm.s32 @!p1 $0x3;
	(pc) =	sbr.rel @!p2 .LBB2_10-.Ltmp1, $4  }
0x24: {  	[hbm:s16], [sflag:s17] =	dma.local @!p1 [spmem:s18], $0x2780  }
0x25: {  	_ =	swait.ge @!p1 [sflag:s25], $0x2780  }
0x26: {  	[sflag:s25] =	ssyncset.done @!p1 $0x0  }
0x27: {  	[sflag:s25] =	ssyncadd.s32 @!p1 $0xFFFFD880  }
.LBB2_1:
0x28: {  	s25 =	simm.s32 $0x0;
	s26 =	simm.s32 $0x200  }
.LBB2_2:
0x29: {  	p2 =	sne.s32 s26, $0xFE00;
	[tilespmem:s25+$0x16870] =	vst v0  }
0x2a: {  	[tilespmem:s25+$0x16800] =	vst v0  }
0x2b: {  	[tilespmem:s25+$0x16810] =	vst v0  }
.Ltmp2:
0x2c: {  	[tilespmem:s25+$0x16820] =	vst v0;
	(pc) =	sbr.rel @p2 .LBB2_2-.Ltmp2, $4  }
0x2d: {  	[tilespmem:s25+$0x16830] =	vst v0  }
0x2e: {  	[tilespmem:s25+$0x16840] =	vst v0  }
0x2f: {  	[tilespmem:s25+$0x16850] =	vst v0  }
0x30: {  	[tilespmem:s25+$0x16860] =	vst v0;
	s25 =	sshra.s32 s26, $0x2;
	s26 =	sadd.s32 $0x200, s26  }
0x31: {  	[tilespmem:s25+$0x16870] =	vst v0  }
0x32: {  	[tilespmem:s25+$0x16800] =	vst v0  }
0x33: {  	[tilespmem:s25+$0x16810] =	vst v0  }
0x34: {  	[tilespmem:s25+$0x16820] =	vst v0  }
0x35: {  	[tilespmem:s25+$0x16830] =	vst v0  }
0x36: {  	[tilespmem:s25+$0x16840] =	vst v0  }
0x37: {  	[tilespmem:s25+$0x16850] =	vst v0  }
0x38: {  	[tilespmem:s25+$0x16860] =	vst v0  }
0x39: {  	[spmem:s4] =	stream.linear.scatter [tilespmem:s12], [sflag:$0x3], $0x4000, $0x38;
	[tilespmem:$0x1E800] =	vst v63  }
0x3a: {  	_ =	swait.ge [sflag:s13], $0x4000  }
0x3b: {  	[sflag:s13] =	ssyncset.done $0x0  }
0x3c: {  	[sflag:s13] =	ssyncadd.s32 $0xFFFFC000  }
0x3d: {  	[spmem:s5] =	stream.linear.scatter [tilespmem:s12], [sflag:$0x3], $0x4000, $0x38;
	[tilespmem:$0x1E800] =	vst v63  }
0x3e: {  	_ =	swait.ge [sflag:s13], $0x4000  }
0x3f: {  	[sflag:s13] =	ssyncset.done $0x0  }
0x40: {  	[sflag:s13] =	ssyncadd.s32 $0xFFFFC000  }
0x41: {  	[spmem:s6] =	stream.linear.scatter [tilespmem:s12], [sflag:$0x3], $0x4000, $0x38;
	[tilespmem:$0x1E800] =	vst v63  }
0x42: {  	_ =	swait.ge [sflag:s13], $0x4000  }
0x43: {  	[sflag:s13] =	ssyncset.done $0x0  }
0x44: {  	[sflag:s13] =	ssyncadd.s32 $0xFFFFC000  }
0x45: {  	[spmem:s7] =	stream.linear.scatter [tilespmem:s12], [sflag:$0x3], $0x4000, $0x38;
	[tilespmem:$0x1E800] =	vst v63  }
0x46: {  	_ =	swait.ge [sflag:s13], $0x4000  }
0x47: {  	[sflag:s13] =	ssyncset.done $0x0  }
0x48: {  	[sflag:s13] =	ssyncadd.s32 $0xFFFFC000  }
0x49: {  	[spmem:s8] =	stream.linear.scatter [tilespmem:s12], [sflag:$0x3], $0x4000, $0x38;
	[tilespmem:$0x1E800] =	vst v63  }
.Ltmp3:
0x4a: {  	_ =	swait.ge [sflag:s13], $0x4000;
	(pc) =	sbr.rel @p0 .LBB2_9-.Ltmp3, $3  }
0x4b: {  	[sflag:s13] =	ssyncset.done $0x0  }
0x4c: {  	[sflag:s13] =	ssyncadd.s32 $0xFFFFC000  }
0x4d: {  	[bflag:$0x0] =	sbarrier.arrive $0xFFFF;
	_ =	sdelay $0x1  }
0x4e: {  	s25 =	simm.s32 $0x0  }
0x4f: {  	[tilespmem:s19], [sflag:$0x3] =	stream.linear.gather [hbm4b:s9+s25], $0x1400, $0x38;
	[tilespmem:$0x1E800] =	vst v63  }
0x50: {  	_ =	swait.ge [sflag:s13], $0x1400  }
0x51: {  	[sflag:s13] =	ssyncset.done $0x0  }
0x52: {  	[sflag:s13] =	ssyncadd.s32 $0xFFFFEC00  }
0x53: {  	[tilespmem:s20], [sflag:$0x3] =	stream.linear.gather [hbm4b:s10+s25], $0x1400, $0x38;
	[tilespmem:$0x1E800] =	vst v63  }
0x54: {  	_ =	swait.ge [sflag:s13], $0x1400  }
0x55: {  	[sflag:s13] =	ssyncset.done $0x0  }
0x56: {  	s30 =	simm.s32 $0x14000;
	[sflag:s13] =	ssyncadd.s32 $0xFFFFEC00  }
0x57: {  	[tilespmem:s12], [sflag:$0x1] =	stream.indirect.gather [hbm4b:s1+s21], $0x80, s30, s21, $0xb8;
	[tilespmem:$0x1E800] =	vst v63  }
0x58: {  	s31 =	simm.s32 $0x14080  }
0x59: {  	[tilespmem:s22], [sflag:$0x2] =	stream.indirect.gather [hbm4b:s1+s21], $0x80, s31, s21, $0xb8;
	[tilespmem:$0x1E800] =	vst v63  }
0x5a: {  	_ =	swait.ge [sflag:s23], $0x4000  }
0x5b: {  	[sflag:s23] =	ssyncset.done $0x0  }
0x5c: {  	[sflag:s23] =	ssyncadd.s32 $0xFFFFC000  }
0x5d: {  	_ =	swait.ge [sflag:s24], $0x4000  }
0x5e: {  	s26 =	simm.s32 $0x800;
	s25 =	simm.s32 $0x100;
	[sflag:s24] =	ssyncset.done $0x0  }
.LBB2_5:
0x5f: {  	s28 =	sadd.s32 $0x14000, s25  }
0x60: {  	[sflag:s24] =	ssyncadd.s32 $0xFFFFC000;
	s29 =	smov.u32 s26;
	s30 =	sadd.s32 $0x400, s26  }
0x61: {  	[tilespmem:s12], [sflag:$0x1] =	stream.indirect.gather [hbm4b:s1+s21], $0x80, s28, s21, $0xb8;
	[tilespmem:$0x1E800] =	vst v63  }
0x62: {  	p2 =	sne.s32 s26, $0x4C00;
	s25 =	sadd.s32 $0x14080, s25  }
0x63: {  	[tilespmem:s22], [sflag:$0x2] =	stream.indirect.gather [hbm4b:s1+s21], $0x80, s25, s21, $0xb8;
	[tilespmem:$0x1E800] =	vst v63  }
.Ltmp4:
0x64: {  	_ =	swait.ge [sflag:s23], $0x4000;
	(pc) =	sbr.rel @p2 .LBB2_5-.Ltmp4, $4  }
0x65: {  	[sflag:s23] =	ssyncset.done $0x0  }
0x66: {  	[sflag:s23] =	ssyncadd.s32 $0xFFFFC000  }
0x67: {  	_ =	swait.ge [sflag:s24], $0x4000  }
0x68: {  	s26 =	smov.u32 s30;
	s25 =	sshra.s32 s29, $0x2;
	[sflag:s24] =	ssyncset.done $0x0  }
0x69: {  	s26 =	sadd.s32 $0x14000, s25;
	[sflag:s24] =	ssyncadd.s32 $0xFFFFC000  }
0x6a: {  	[tilespmem:s12], [sflag:$0x1] =	stream.indirect.gather [hbm4b:s1+s21], $0x80, s26, s21, $0xb8;
	[tilespmem:$0x1E800] =	vst v63  }
0x6b: {  	s31 =	sadd.s32 $0x14080, s25  }
0x6c: {  	[tilespmem:s22], [sflag:$0x2] =	stream.indirect.gather [hbm4b:s1+s21], $0x80, s31, s21, $0xb8;
	[tilespmem:$0x1E800] =	vst v63  }
0x6d: {  	_ =	swait.ge [sflag:s23], $0x4000  }
0x6e: {  	[sflag:s23] =	ssyncset.done $0x0  }
0x6f: {  	[sflag:s23] =	ssyncadd.s32 $0xFFFFC000  }
0x70: {  	_ =	swait.ge [sflag:s24], $0x4000  }
0x71: {  	[sflag:s24] =	ssyncset.done $0x0  }
0x72: {  	s28 =	simm.s32 $0x0;
	s26 =	sadd.s32 $0x280, s9;
	[sflag:s24] =	ssyncadd.s32 $0xFFFFC000  }
0x73: {  	[tilespmem:s19], [sflag:$0x3] =	stream.linear.gather [hbm4b:s26+s28], $0x1400, $0x38;
	[tilespmem:$0x1E800] =	vst v63  }
0x74: {  	_ =	swait.ge [sflag:s13], $0x1400  }
0x75: {  	[sflag:s13] =	ssyncset.done $0x0  }
0x76: {  	s29 =	sadd.s32 $0x280, s10;
	[sflag:s13] =	ssyncadd.s32 $0xFFFFEC00  }
0x77: {  	[tilespmem:s20], [sflag:$0x3] =	stream.linear.gather [hbm4b:s29+s28], $0x1400, $0x38;
	[tilespmem:$0x1E800] =	vst v63  }
0x78: {  	_ =	swait.ge [sflag:s13], $0x1400  }
0x79: {  	[sflag:s13] =	ssyncset.done $0x0  }
0x7a: {  	s30 =	simm.s32 $0x14000;
	[sflag:s13] =	ssyncadd.s32 $0xFFFFEC00  }
0x7b: {  	[tilespmem:s12], [sflag:$0x1] =	stream.indirect.gather [hbm4b:s1+s21], $0x80, s30, s21, $0xb8;
	[tilespmem:$0x1E800] =	vst v63  }
0x7c: {  	s31 =	simm.s32 $0x14080  }
0x7d: {  	[tilespmem:s22], [sflag:$0x2] =	stream.indirect.gather [hbm4b:s1+s21], $0x80, s31, s21, $0xb8;
	[tilespmem:$0x1E800] =	vst v63  }
0x7e: {  	_ =	swait.ge [sflag:s23], $0x4000  }
0x7f: {  	[sflag:s23] =	ssyncset.done $0x0  }
0x80: {  	[sflag:s23] =	ssyncadd.s32 $0xFFFFC000  }
0x81: {  	_ =	swait.ge [sflag:s24], $0x4000  }
0x82: {  	s25 =	simm.s32 $0x100;
	s26 =	simm.s32 $0x800;
	[sflag:s24] =	ssyncset.done $0x0  }
.LBB2_7:
0x83: {  	s28 =	sadd.s32 $0x14000, s25  }
0x84: {  	[sflag:s24] =	ssyncadd.s32 $0xFFFFC000;
	s29 =	smov.u32 s26;
	s30 =	sadd.s32 $0x400, s26  }
0x85: {  	[tilespmem:s12], [sflag:$0x1] =	stream.indirect.gather [hbm4b:s1+s21], $0x80, s28, s21, $0xb8;
	[tilespmem:$0x1E800] =	vst v63  }
0x86: {  	p2 =	sne.s32 s26, $0x4C00;
	s25 =	sadd.s32 $0x14080, s25  }
0x87: {  	[tilespmem:s22], [sflag:$0x2] =	stream.indirect.gather [hbm4b:s1+s21], $0x80, s25, s21, $0xb8;
	[tilespmem:$0x1E800] =	vst v63  }
.Ltmp5:
0x88: {  	_ =	swait.ge [sflag:s23], $0x4000;
	(pc) =	sbr.rel @p2 .LBB2_7-.Ltmp5, $4  }
0x89: {  	[sflag:s23] =	ssyncset.done $0x0  }
0x8a: {  	[sflag:s23] =	ssyncadd.s32 $0xFFFFC000  }
0x8b: {  	_ =	swait.ge [sflag:s24], $0x4000  }
0x8c: {  	s26 =	smov.u32 s30;
	s25 =	sshra.s32 s29, $0x2;
	[sflag:s24] =	ssyncset.done $0x0  }
.Ltmp6:
0x8d: {  	_ = 	snop;
	(pc) =	sbr.rel .LBB2_8-.Ltmp6, $1  }
0x8e: {  	_ =	sdelay $0x3  }
.LBB2_10:
0x8f: {  	_ =	sfence.sel $0x180000  }
0x90: {  	[bflag:$0x0] =	sbarrier.arrive $0xFFFF  }
0x91: {  	p0 =	sne.s32 s2, $0x0;
	_ =	strace $0x90000047  }
0x92: {  	s0 =	sadd.s32 @!p0 $0x100000, s0;
	[bflag:$0x2] =	sbarrier.arrive $0xFFFF  }
0x93: {  	[sflag:s0] =	ssyncadd.tile.s32 @!p0 $0x1;
	_ =	shalt  }
.Lfunc_end2:
_tile_overlayer_lowered:
.L_overlay_start_2:
0x94: {  	(tag) =	ssettag $0x2  }
0x95: {  	s0 =	rddreg [dreg:$0x0];
	s2 =	stileid.u32  }
0x96: {  	s1 =	rddreg [dreg:$0x1];
	p0 =	sne.s32 s2, $0x0  }
0x97: {  	s3 =	rddreg [dreg:$0x2];
	[bflag:$0x3] =	sbarrier.arrive $0xFFFF;
	s2 =	simm.s32 @!p0 $0x1C03  }
0x98: {  	[timem:s3], [sflag:s2] =	dma.local @!p0 [hbm:s0], s1  }
0x99: {  	s0 =	simm.s32 @!p0 $0x3  }
0x9a: {  	_ =	swait.ge @!p0 [sflag:s0], s1  }
0x9b: {  	s1 =	ssub.s32 @!p0 $0x0, s1;
	[sflag:s0] =	ssyncset.done @!p0 $0x0  }
0x9c: {  	[sflag:s0] =	ssyncadd.s32 @!p0 s1  }
0x9d: {  	[bflag:$0x3] =	sbarrier.arrive $0xFFFF  }
0x9e: {  	_ =	shalt  }

</sc_bundles>
